<compile_context>
chip_gen: v7x
topology: tpu7x:2x2x1
jax: 0.10.2.dev20260603
libtpu: 0.0.44.dev20260713+nightly
codegen_flags: <defaults>
</compile_context>

<pallas_src>
import functools

import jax
import jax.numpy as jnp
from jax import lax
from jax.experimental import pallas as pl
from jax.experimental.pallas import tpu as pltpu
from jax.experimental.pallas import tpu_sc as plsc

_info = plsc.get_sparse_core_info()
_NC, _NS = _info.num_cores, _info.num_subcores
_NW = _NC * _NS

_CH = 80
_NBUF = 4


def _gather_rows(ids_flat, table):
    B = ids_flat.shape[0]
    D = table.shape[1]
    assert B % (_NW * _CH * _NBUF) == 0
    b_per_w = B // _NW
    nchunk = b_per_w // _CH
    nround = nchunk // _NBUF

    mesh = plsc.VectorSubcoreMesh(core_axis_name="c", subcore_axis_name="s")

    @functools.partial(
        pl.kernel,
        out_type=jax.ShapeDtypeStruct((B, D), jnp.float32),
        mesh=mesh,
        scratch_types=(
            [pltpu.VMEM((b_per_w,), jnp.int32)]
            + [pltpu.VMEM((_CH, D), jnp.float32)] * _NBUF
            + [pltpu.SemaphoreType.DMA] * (2 * _NBUF)
        ),
    )
    def sc_kernel(table_hbm, ids_hbm, out_hbm, idx_v, *bufs_and_sems):
        wid = lax.axis_index("s") * _NC + lax.axis_index("c")
        base = wid * b_per_w
        pltpu.sync_copy(ids_hbm.at[pl.ds(base, b_per_w)], idx_v)

        bufs = bufs_and_sems[:_NBUF]
        gsem = bufs_and_sems[_NBUF:2 * _NBUF]
        ssem = bufs_and_sems[2 * _NBUF:]

        def g_start(i, b):
            pltpu.async_copy(
                table_hbm.at[idx_v.at[pl.ds(i * _CH, _CH)]], bufs[b], gsem[b])

        def g_wait(b):
            pltpu.make_async_copy(
                table_hbm.at[idx_v.at[pl.ds(0, _CH)]], bufs[b], gsem[b]).wait()

        def s_start(i, b):
            pltpu.async_copy(
                bufs[b], out_hbm.at[pl.ds(base + i * _CH, _CH)], ssem[b])

        def s_wait(b):
            pltpu.make_async_copy(
                bufs[b], out_hbm.at[pl.ds(base, _CH)], ssem[b]).wait()

        for b in range(_NBUF):
            g_start(b, b)

        def round_body(j, carry):
            for b in range(_NBUF):
                i = j * _NBUF + b
                g_wait(b)
                s_start(i, b)
            for b in range(_NBUF):
                s_wait(b)
                g_start((j + 1) * _NBUF + b, b)
            return carry

        lax.fori_loop(0, nround - 1, round_body, 0)

        for b in range(_NBUF):
            i = (nround - 1) * _NBUF + b
            g_wait(b)
            s_start(i, b)
        for b in range(_NBUF):
            s_wait(b)

    return sc_kernel(table, ids_flat)


def kernel(input_ids, table):
    ids_flat = input_ids.reshape(-1).astype(jnp.int32)
    out = _gather_rows(ids_flat, table)
    return out.reshape(input_ids.shape + (table.shape[1],))

# --- scband reference (transcript-rebuilt; emitter-appended) ---
"""Pipeline reference for scband-prefix-text-encoder-47674136985965 (READ-ONLY COPY).

The authoritative reference and input builder live on the scoring server;
editing this copy changes nothing except your own understanding.
"""

import jax, jax.numpy as jnp
import numpy as np

VOCAB = 32128
D_MODEL = 256
BATCH = 4096
SEQ = 200

def setup_inputs(seed: int = 0) -> dict:
    key = jax.random.key(seed)
    k_ids, k_tab = jax.random.split(key)
    input_ids = jax.random.randint(k_ids, (BATCH, SEQ), 0, VOCAB, dtype=jnp.int64 if jax.config.jax_enable_x64 else jnp.int32)
    table = jax.random.normal(k_tab, (VOCAB, D_MODEL), dtype=jnp.float32) * 0.02
    return {"input_ids": input_ids, "table": table}

def reference(input_ids, table):
    # PrefixTextEncoder.forward with target_d_model == t5_hidden_size (256),
    # so proj is None: pure embedding lookup over the shared T5 embedding table.
    embeds = jnp.take(table, input_ids, axis=0)
    return embeds

if __name__ == "__main__":
    import jax
    _d = setup_inputs()
    print(jax.jit(kernel)(*tuple(_d.values())))

</pallas_src>

<mosaic_0001>
#map = affine_map<(d0, d1) -> (0, 0)>
#map1 = affine_map<(d0, d1) -> (0)>
module attributes {stable_mosaic.version = 14 : i64} {
  func.func @sc_kernel(%arg0: i32, %arg1: i32, %arg2: memref<32128x256xf32, #tpu.memory_space<hbm>>, %arg3: memref<819200xi32, #tpu.memory_space<hbm>>, %arg4: memref<819200x256xf32, #tpu.memory_space<hbm>>, %arg5: memref<25600xi32, #tpu.memory_space<vmem>>, %arg6: memref<80x256xf32, #tpu.memory_space<vmem>>, %arg7: memref<80x256xf32, #tpu.memory_space<vmem>>, %arg8: memref<80x256xf32, #tpu.memory_space<vmem>>, %arg9: memref<80x256xf32, #tpu.memory_space<vmem>>, %arg10: memref<!tpu.dma_semaphore, #tpu.memory_space<semaphore_mem>>, %arg11: memref<!tpu.dma_semaphore, #tpu.memory_space<semaphore_mem>>, %arg12: memref<!tpu.dma_semaphore, #tpu.memory_space<semaphore_mem>>, %arg13: memref<!tpu.dma_semaphore, #tpu.memory_space<semaphore_mem>>, %arg14: memref<!tpu.dma_semaphore, #tpu.memory_space<semaphore_mem>>, %arg15: memref<!tpu.dma_semaphore, #tpu.memory_space<semaphore_mem>>, %arg16: memref<!tpu.dma_semaphore, #tpu.memory_space<semaphore_mem>>, %arg17: memref<!tpu.dma_semaphore, #tpu.memory_space<semaphore_mem>>) attributes {dimension_semantics = [#tpu.dimension_semantics<core_parallel>, #tpu.dimension_semantics<subcore_parallel>], iteration_bounds = array<i64: 2, 16>, scalar_prefetch = 0 : i64, scratch_operands = 13 : i64, tpu.core_type = #tpu.core_type<sc_vector_subcore>, window_params = [{transform_indices = #map}, {transform_indices = #map1}, {transform_indices = #map}]} {
    %mul3A = arith.constant 2 : i32
    %mul3A_0 = arith.muli %arg1, %mul3A : i32
    %add3A = arith.addi %mul3A_0, %arg0 : i32
    %mul3A_1 = arith.constant 25600 : i32
    %mul3A_2 = arith.muli %add3A, %mul3A_1 : i32
    "tpu.region"() ({
      %run_scoped3A = tpu.sem_alloc : memref<!tpu.dma_semaphore, #tpu.memory_space<semaphore_mem>>
      %dma_start3A_86 = tpu.memref_slice %arg3[%mul3A_2] : memref<819200xi32, #tpu.memory_space<hbm>> -> memref<25600xi32, #tpu.memory_space<hbm>>
      %dma_start3A_87 = tpu.memref_slice %arg3[%mul3A_2] : memref<819200xi32, #tpu.memory_space<hbm>> -> memref<25600xi32, #tpu.memory_space<hbm>>
      tpu.enqueue_dma source(%dma_start3A_87 : memref<25600xi32, #tpu.memory_space<hbm>>) target(%arg5 : memref<25600xi32, #tpu.memory_space<vmem>>) target_semaphore(%run_scoped3A : memref<!tpu.dma_semaphore, #tpu.memory_space<semaphore_mem>>)
      %dma_wait3A_88 = tpu.memref_slice %arg3[%mul3A_2] : memref<819200xi32, #tpu.memory_space<hbm>> -> memref<25600xi32, #tpu.memory_space<hbm>>
      %dma_wait3A_89 = tpu.memref_slice %arg3[%mul3A_2] : memref<819200xi32, #tpu.memory_space<hbm>> -> memref<25600xi32, #tpu.memory_space<hbm>>
      tpu.wait_dma2 semaphore(%run_scoped3A : memref<!tpu.dma_semaphore, #tpu.memory_space<semaphore_mem>>) src(%dma_wait3A_89 : memref<25600xi32, #tpu.memory_space<hbm>>) dst(%arg5 : memref<25600xi32, #tpu.memory_space<vmem>>)
      tpu.yield
    }) : () -> ()
    %dma_start3A = arith.constant 0 : i32
    %dma_start3A_3 = tpu.memref_slice %arg5[%dma_start3A] : memref<25600xi32, #tpu.memory_space<vmem>> -> memref<80xi32, #tpu.memory_space<vmem>>
    %dma_start3A_4 = arith.constant 0 : i32
    %dma_start3A_5 = arith.constant 0 : i32
    %dma_start3A_6 = tpu.memref_slice %arg2[%dma_start3A_4, %dma_start3A_5] : memref<32128x256xf32, #tpu.memory_space<hbm>> -> memref<32128x256xf32, #tpu.memory_space<hbm>>
    tpu.enqueue_indirect_dma source(%dma_start3A_6 : memref<32128x256xf32, #tpu.memory_space<hbm>>) target(%arg6 : memref<80x256xf32, #tpu.memory_space<vmem>>) offsets(%dma_start3A_3 : memref<80xi32, #tpu.memory_space<vmem>>) semaphore(%arg10 : memref<!tpu.dma_semaphore, #tpu.memory_space<semaphore_mem>>)
    %dma_start3A_7 = arith.constant 80 : i32
    %dma_start3A_8 = tpu.memref_slice %arg5[%dma_start3A_7] : memref<25600xi32, #tpu.memory_space<vmem>> -> memref<80xi32, #tpu.memory_space<vmem>>
    %dma_start3A_9 = arith.constant 0 : i32
    %dma_start3A_10 = arith.constant 0 : i32
    %dma_start3A_11 = tpu.memref_slice %arg2[%dma_start3A_9, %dma_start3A_10] : memref<32128x256xf32, #tpu.memory_space<hbm>> -> memref<32128x256xf32, #tpu.memory_space<hbm>>
    tpu.enqueue_indirect_dma source(%dma_start3A_11 : memref<32128x256xf32, #tpu.memory_space<hbm>>) target(%arg7 : memref<80x256xf32, #tpu.memory_space<vmem>>) offsets(%dma_start3A_8 : memref<80xi32, #tpu.memory_space<vmem>>) semaphore(%arg11 : memref<!tpu.dma_semaphore, #tpu.memory_space<semaphore_mem>>)
    %dma_start3A_12 = arith.constant 160 : i32
    %dma_start3A_13 = tpu.memref_slice %arg5[%dma_start3A_12] : memref<25600xi32, #tpu.memory_space<vmem>> -> memref<80xi32, #tpu.memory_space<vmem>>
    %dma_start3A_14 = arith.constant 0 : i32
    %dma_start3A_15 = arith.constant 0 : i32
    %dma_start3A_16 = tpu.memref_slice %arg2[%dma_start3A_14, %dma_start3A_15] : memref<32128x256xf32, #tpu.memory_space<hbm>> -> memref<32128x256xf32, #tpu.memory_space<hbm>>
    tpu.enqueue_indirect_dma source(%dma_start3A_16 : memref<32128x256xf32, #tpu.memory_space<hbm>>) target(%arg8 : memref<80x256xf32, #tpu.memory_space<vmem>>) offsets(%dma_start3A_13 : memref<80xi32, #tpu.memory_space<vmem>>) semaphore(%arg12 : memref<!tpu.dma_semaphore, #tpu.memory_space<semaphore_mem>>)
    %dma_start3A_17 = arith.constant 240 : i32
    %dma_start3A_18 = tpu.memref_slice %arg5[%dma_start3A_17] : memref<25600xi32, #tpu.memory_space<vmem>> -> memref<80xi32, #tpu.memory_space<vmem>>
    %dma_start3A_19 = arith.constant 0 : i32
    %dma_start3A_20 = arith.constant 0 : i32
    %dma_start3A_21 = tpu.memref_slice %arg2[%dma_start3A_19, %dma_start3A_20] : memref<32128x256xf32, #tpu.memory_space<hbm>> -> memref<32128x256xf32, #tpu.memory_space<hbm>>
    tpu.enqueue_indirect_dma source(%dma_start3A_21 : memref<32128x256xf32, #tpu.memory_space<hbm>>) target(%arg9 : memref<80x256xf32, #tpu.memory_space<vmem>>) offsets(%dma_start3A_18 : memref<80xi32, #tpu.memory_space<vmem>>) semaphore(%arg13 : memref<!tpu.dma_semaphore, #tpu.memory_space<semaphore_mem>>)
    %scan3A = arith.constant 0 : i32
    %scan3A_22 = arith.constant 0 : i32
    %scan3A_23 = arith.constant 79 : i32
    %scan3A_24 = arith.addi %scan3A_22, %scan3A_23 : i32
    %scan3A_25 = arith.constant 1 : i32
    scf.for %scan3A_86 = %scan3A_22 to %scan3A_24 step %scan3A_25  : i32 {
      %mul3A_87 = arith.constant 4 : i32
      %mul3A_88 = arith.muli %scan3A_86, %mul3A_87 : i32
      %add3A_89 = arith.constant 0 : i32
      %add3A_90 = arith.addi %mul3A_88, %add3A_89 : i32
      %dma_wait3A_91 = arith.constant 0 : i32
      %dma_wait3A_92 = tpu.memref_slice %arg5[%dma_wait3A_91] : memref<25600xi32, #tpu.memory_space<vmem>> -> memref<80xi32, #tpu.memory_space<vmem>>
      %dma_wait3A_93 = arith.constant 0 : i32
      %dma_wait3A_94 = arith.constant 0 : i32
      %dma_wait3A_95 = tpu.memref_slice %arg2[%dma_wait3A_93, %dma_wait3A_94] : memref<32128x256xf32, #tpu.memory_space<hbm>> -> memref<32128x256xf32, #tpu.memory_space<hbm>>
      tpu.wait_indirect_dma semaphore(%arg10 : memref<!tpu.dma_semaphore, #tpu.memory_space<semaphore_mem>>) src(%dma_wait3A_95 : memref<32128x256xf32, #tpu.memory_space<hbm>>) dst(%arg6 : memref<80x256xf32, #tpu.memory_space<vmem>>)
      %mul3A_96 = arith.constant 80 : i32
      %mul3A_97 = arith.muli %add3A_90, %mul3A_96 : i32
      %add3A_98 = arith.addi %mul3A_2, %mul3A_97 : i32
      %dma_start3A_99 = arith.constant 0 : i32
      %dma_start3A_100 = tpu.memref_slice %arg4[%add3A_98, %dma_start3A_99] : memref<819200x256xf32, #tpu.memory_space<hbm>> -> memref<80x256xf32, #tpu.memory_space<hbm>>
      %dma_start3A_101 = arith.constant 0 : i32
      %dma_start3A_102 = tpu.memref_slice %arg4[%add3A_98, %dma_start3A_101] : memref<819200x256xf32, #tpu.memory_space<hbm>> -> memref<80x256xf32, #tpu.memory_space<hbm>>
      tpu.enqueue_dma source(%arg6 : memref<80x256xf32, #tpu.memory_space<vmem>>) target(%dma_start3A_102 : memref<80x256xf32, #tpu.memory_space<hbm>>) target_semaphore(%arg14 : memref<!tpu.dma_semaphore, #tpu.memory_space<semaphore_mem>>)
      %mul3A_103 = arith.constant 4 : i32
      %mul3A_104 = arith.muli %scan3A_86, %mul3A_103 : i32
      %add3A_105 = arith.constant 1 : i32
      %add3A_106 = arith.addi %mul3A_104, %add3A_105 : i32
      %dma_wait3A_107 = arith.constant 0 : i32
      %dma_wait3A_108 = tpu.memref_slice %arg5[%dma_wait3A_107] : memref<25600xi32, #tpu.memory_space<vmem>> -> memref<80xi32, #tpu.memory_space<vmem>>
      %dma_wait3A_109 = arith.constant 0 : i32
      %dma_wait3A_110 = arith.constant 0 : i32
      %dma_wait3A_111 = tpu.memref_slice %arg2[%dma_wait3A_109, %dma_wait3A_110] : memref<32128x256xf32, #tpu.memory_space<hbm>> -> memref<32128x256xf32, #tpu.memory_space<hbm>>
      tpu.wait_indirect_dma semaphore(%arg11 : memref<!tpu.dma_semaphore, #tpu.memory_space<semaphore_mem>>) src(%dma_wait3A_111 : memref<32128x256xf32, #tpu.memory_space<hbm>>) dst(%arg7 : memref<80x256xf32, #tpu.memory_space<vmem>>)
      %mul3A_112 = arith.constant 80 : i32
      %mul3A_113 = arith.muli %add3A_106, %mul3A_112 : i32
      %add3A_114 = arith.addi %mul3A_2, %mul3A_113 : i32
      %dma_start3A_115 = arith.constant 0 : i32
      %dma_start3A_116 = tpu.memref_slice %arg4[%add3A_114, %dma_start3A_115] : memref<819200x256xf32, #tpu.memory_space<hbm>> -> memref<80x256xf32, #tpu.memory_space<hbm>>
      %dma_start3A_117 = arith.constant 0 : i32
      %dma_start3A_118 = tpu.memref_slice %arg4[%add3A_114, %dma_start3A_117] : memref<819200x256xf32, #tpu.memory_space<hbm>> -> memref<80x256xf32, #tpu.memory_space<hbm>>
      tpu.enqueue_dma source(%arg7 : memref<80x256xf32, #tpu.memory_space<vmem>>) target(%dma_start3A_118 : memref<80x256xf32, #tpu.memory_space<hbm>>) target_semaphore(%arg15 : memref<!tpu.dma_semaphore, #tpu.memory_space<semaphore_mem>>)
      %mul3A_119 = arith.constant 4 : i32
      %mul3A_120 = arith.muli %scan3A_86, %mul3A_119 : i32
      %add3A_121 = arith.constant 2 : i32
      %add3A_122 = arith.addi %mul3A_120, %add3A_121 : i32
      %dma_wait3A_123 = arith.constant 0 : i32
      %dma_wait3A_124 = tpu.memref_slice %arg5[%dma_wait3A_123] : memref<25600xi32, #tpu.memory_space<vmem>> -> memref<80xi32, #tpu.memory_space<vmem>>
      %dma_wait3A_125 = arith.constant 0 : i32
      %dma_wait3A_126 = arith.constant 0 : i32
      %dma_wait3A_127 = tpu.memref_slice %arg2[%dma_wait3A_125, %dma_wait3A_126] : memref<32128x256xf32, #tpu.memory_space<hbm>> -> memref<32128x256xf32, #tpu.memory_space<hbm>>
      tpu.wait_indirect_dma semaphore(%arg12 : memref<!tpu.dma_semaphore, #tpu.memory_space<semaphore_mem>>) src(%dma_wait3A_127 : memref<32128x256xf32, #tpu.memory_space<hbm>>) dst(%arg8 : memref<80x256xf32, #tpu.memory_space<vmem>>)
      %mul3A_128 = arith.constant 80 : i32
      %mul3A_129 = arith.muli %add3A_122, %mul3A_128 : i32
      %add3A_130 = arith.addi %mul3A_2, %mul3A_129 : i32
      %dma_start3A_131 = arith.constant 0 : i32
      %dma_start3A_132 = tpu.memref_slice %arg4[%add3A_130, %dma_start3A_131] : memref<819200x256xf32, #tpu.memory_space<hbm>> -> memref<80x256xf32, #tpu.memory_space<hbm>>
      %dma_start3A_133 = arith.constant 0 : i32
      %dma_start3A_134 = tpu.memref_slice %arg4[%add3A_130, %dma_start3A_133] : memref<819200x256xf32, #tpu.memory_space<hbm>> -> memref<80x256xf32, #tpu.memory_space<hbm>>
      tpu.enqueue_dma source(%arg8 : memref<80x256xf32, #tpu.memory_space<vmem>>) target(%dma_start3A_134 : memref<80x256xf32, #tpu.memory_space<hbm>>) target_semaphore(%arg16 : memref<!tpu.dma_semaphore, #tpu.memory_space<semaphore_mem>>)
      %mul3A_135 = arith.constant 4 : i32
      %mul3A_136 = arith.muli %scan3A_86, %mul3A_135 : i32
      %add3A_137 = arith.constant 3 : i32
      %add3A_138 = arith.addi %mul3A_136, %add3A_137 : i32
      %dma_wait3A_139 = arith.constant 0 : i32
      %dma_wait3A_140 = tpu.memref_slice %arg5[%dma_wait3A_139] : memref<25600xi32, #tpu.memory_space<vmem>> -> memref<80xi32, #tpu.memory_space<vmem>>
      %dma_wait3A_141 = arith.constant 0 : i32
      %dma_wait3A_142 = arith.constant 0 : i32
      %dma_wait3A_143 = tpu.memref_slice %arg2[%dma_wait3A_141, %dma_wait3A_142] : memref<32128x256xf32, #tpu.memory_space<hbm>> -> memref<32128x256xf32, #tpu.memory_space<hbm>>
      tpu.wait_indirect_dma semaphore(%arg13 : memref<!tpu.dma_semaphore, #tpu.memory_space<semaphore_mem>>) src(%dma_wait3A_143 : memref<32128x256xf32, #tpu.memory_space<hbm>>) dst(%arg9 : memref<80x256xf32, #tpu.memory_space<vmem>>)
      %mul3A_144 = arith.constant 80 : i32
      %mul3A_145 = arith.muli %add3A_138, %mul3A_144 : i32
      %add3A_146 = arith.addi %mul3A_2, %mul3A_145 : i32
      %dma_start3A_147 = arith.constant 0 : i32
      %dma_start3A_148 = tpu.memref_slice %arg4[%add3A_146, %dma_start3A_147] : memref<819200x256xf32, #tpu.memory_space<hbm>> -> memref<80x256xf32, #tpu.memory_space<hbm>>
      %dma_start3A_149 = arith.constant 0 : i32
      %dma_start3A_150 = tpu.memref_slice %arg4[%add3A_146, %dma_start3A_149] : memref<819200x256xf32, #tpu.memory_space<hbm>> -> memref<80x256xf32, #tpu.memory_space<hbm>>
      tpu.enqueue_dma source(%arg9 : memref<80x256xf32, #tpu.memory_space<vmem>>) target(%dma_start3A_150 : memref<80x256xf32, #tpu.memory_space<hbm>>) target_semaphore(%arg17 : memref<!tpu.dma_semaphore, #tpu.memory_space<semaphore_mem>>)
      %dma_wait3A_151 = arith.constant 0 : i32
      %dma_wait3A_152 = tpu.memref_slice %arg4[%mul3A_2, %dma_wait3A_151] : memref<819200x256xf32, #tpu.memory_space<hbm>> -> memref<80x256xf32, #tpu.memory_space<hbm>>
      %dma_wait3A_153 = arith.constant 0 : i32
      %dma_wait3A_154 = tpu.memref_slice %arg4[%mul3A_2, %dma_wait3A_153] : memref<819200x256xf32, #tpu.memory_space<hbm>> -> memref<80x256xf32, #tpu.memory_space<hbm>>
      tpu.wait_dma2 semaphore(%arg14 : memref<!tpu.dma_semaphore, #tpu.memory_space<semaphore_mem>>) src(%arg6 : memref<80x256xf32, #tpu.memory_space<vmem>>) dst(%dma_wait3A_154 : memref<80x256xf32, #tpu.memory_space<hbm>>)
      %add3A_155 = arith.constant 1 : i32
      %add3A_156 = arith.addi %scan3A_86, %add3A_155 : i32
      %mul3A_157 = arith.constant 4 : i32
      %mul3A_158 = arith.muli %add3A_156, %mul3A_157 : i32
      %add3A_159 = arith.constant 0 : i32
      %add3A_160 = arith.addi %mul3A_158, %add3A_159 : i32
      %mul3A_161 = arith.constant 80 : i32
      %mul3A_162 = arith.muli %add3A_160, %mul3A_161 : i32
      %dma_start3A_163 = tpu.memref_slice %arg5[%mul3A_162] : memref<25600xi32, #tpu.memory_space<vmem>> -> memref<80xi32, #tpu.memory_space<vmem>>
      %dma_start3A_164 = arith.constant 0 : i32
      %dma_start3A_165 = arith.constant 0 : i32
      %dma_start3A_166 = tpu.memref_slice %arg2[%dma_start3A_164, %dma_start3A_165] : memref<32128x256xf32, #tpu.memory_space<hbm>> -> memref<32128x256xf32, #tpu.memory_space<hbm>>
      tpu.enqueue_indirect_dma source(%dma_start3A_166 : memref<32128x256xf32, #tpu.memory_space<hbm>>) target(%arg6 : memref<80x256xf32, #tpu.memory_space<vmem>>) offsets(%dma_start3A_163 : memref<80xi32, #tpu.memory_space<vmem>>) semaphore(%arg10 : memref<!tpu.dma_semaphore, #tpu.memory_space<semaphore_mem>>)
      %dma_wait3A_167 = arith.constant 0 : i32
      %dma_wait3A_168 = tpu.memref_slice %arg4[%mul3A_2, %dma_wait3A_167] : memref<819200x256xf32, #tpu.memory_space<hbm>> -> memref<80x256xf32, #tpu.memory_space<hbm>>
      %dma_wait3A_169 = arith.constant 0 : i32
      %dma_wait3A_170 = tpu.memref_slice %arg4[%mul3A_2, %dma_wait3A_169] : memref<819200x256xf32, #tpu.memory_space<hbm>> -> memref<80x256xf32, #tpu.memory_space<hbm>>
      tpu.wait_dma2 semaphore(%arg15 : memref<!tpu.dma_semaphore, #tpu.memory_space<semaphore_mem>>) src(%arg7 : memref<80x256xf32, #tpu.memory_space<vmem>>) dst(%dma_wait3A_170 : memref<80x256xf32, #tpu.memory_space<hbm>>)
      %add3A_171 = arith.constant 1 : i32
      %add3A_172 = arith.addi %scan3A_86, %add3A_171 : i32
      %mul3A_173 = arith.constant 4 : i32
      %mul3A_174 = arith.muli %add3A_172, %mul3A_173 : i32
      %add3A_175 = arith.constant 1 : i32
      %add3A_176 = arith.addi %mul3A_174, %add3A_175 : i32
      %mul3A_177 = arith.constant 80 : i32
      %mul3A_178 = arith.muli %add3A_176, %mul3A_177 : i32
      %dma_start3A_179 = tpu.memref_slice %arg5[%mul3A_178] : memref<25600xi32, #tpu.memory_space<vmem>> -> memref<80xi32, #tpu.memory_space<vmem>>
      %dma_start3A_180 = arith.constant 0 : i32
      %dma_start3A_181 = arith.constant 0 : i32
      %dma_start3A_182 = tpu.memref_slice %arg2[%dma_start3A_180, %dma_start3A_181] : memref<32128x256xf32, #tpu.memory_space<hbm>> -> memref<32128x256xf32, #tpu.memory_space<hbm>>
      tpu.enqueue_indirect_dma source(%dma_start3A_182 : memref<32128x256xf32, #tpu.memory_space<hbm>>) target(%arg7 : memref<80x256xf32, #tpu.memory_space<vmem>>) offsets(%dma_start3A_179 : memref<80xi32, #tpu.memory_space<vmem>>) semaphore(%arg11 : memref<!tpu.dma_semaphore, #tpu.memory_space<semaphore_mem>>)
      %dma_wait3A_183 = arith.constant 0 : i32
      %dma_wait3A_184 = tpu.memref_slice %arg4[%mul3A_2, %dma_wait3A_183] : memref<819200x256xf32, #tpu.memory_space<hbm>> -> memref<80x256xf32, #tpu.memory_space<hbm>>
      %dma_wait3A_185 = arith.constant 0 : i32
      %dma_wait3A_186 = tpu.memref_slice %arg4[%mul3A_2, %dma_wait3A_185] : memref<819200x256xf32, #tpu.memory_space<hbm>> -> memref<80x256xf32, #tpu.memory_space<hbm>>
      tpu.wait_dma2 semaphore(%arg16 : memref<!tpu.dma_semaphore, #tpu.memory_space<semaphore_mem>>) src(%arg8 : memref<80x256xf32, #tpu.memory_space<vmem>>) dst(%dma_wait3A_186 : memref<80x256xf32, #tpu.memory_space<hbm>>)
      %add3A_187 = arith.constant 1 : i32
      %add3A_188 = arith.addi %scan3A_86, %add3A_187 : i32
      %mul3A_189 = arith.constant 4 : i32
      %mul3A_190 = arith.muli %add3A_188, %mul3A_189 : i32
      %add3A_191 = arith.constant 2 : i32
      %add3A_192 = arith.addi %mul3A_190, %add3A_191 : i32
      %mul3A_193 = arith.constant 80 : i32
      %mul3A_194 = arith.muli %add3A_192, %mul3A_193 : i32
      %dma_start3A_195 = tpu.memref_slice %arg5[%mul3A_194] : memref<25600xi32, #tpu.memory_space<vmem>> -> memref<80xi32, #tpu.memory_space<vmem>>
      %dma_start3A_196 = arith.constant 0 : i32
      %dma_start3A_197 = arith.constant 0 : i32
      %dma_start3A_198 = tpu.memref_slice %arg2[%dma_start3A_196, %dma_start3A_197] : memref<32128x256xf32, #tpu.memory_space<hbm>> -> memref<32128x256xf32, #tpu.memory_space<hbm>>
      tpu.enqueue_indirect_dma source(%dma_start3A_198 : memref<32128x256xf32, #tpu.memory_space<hbm>>) target(%arg8 : memref<80x256xf32, #tpu.memory_space<vmem>>) offsets(%dma_start3A_195 : memref<80xi32, #tpu.memory_space<vmem>>) semaphore(%arg12 : memref<!tpu.dma_semaphore, #tpu.memory_space<semaphore_mem>>)
      %dma_wait3A_199 = arith.constant 0 : i32
      %dma_wait3A_200 = tpu.memref_slice %arg4[%mul3A_2, %dma_wait3A_199] : memref<819200x256xf32, #tpu.memory_space<hbm>> -> memref<80x256xf32, #tpu.memory_space<hbm>>
      %dma_wait3A_201 = arith.constant 0 : i32
      %dma_wait3A_202 = tpu.memref_slice %arg4[%mul3A_2, %dma_wait3A_201] : memref<819200x256xf32, #tpu.memory_space<hbm>> -> memref<80x256xf32, #tpu.memory_space<hbm>>
      tpu.wait_dma2 semaphore(%arg17 : memref<!tpu.dma_semaphore, #tpu.memory_space<semaphore_mem>>) src(%arg9 : memref<80x256xf32, #tpu.memory_space<vmem>>) dst(%dma_wait3A_202 : memref<80x256xf32, #tpu.memory_space<hbm>>)
      %add3A_203 = arith.constant 1 : i32
      %add3A_204 = arith.addi %scan3A_86, %add3A_203 : i32
      %mul3A_205 = arith.constant 4 : i32
      %mul3A_206 = arith.muli %add3A_204, %mul3A_205 : i32
      %add3A_207 = arith.constant 3 : i32
      %add3A_208 = arith.addi %mul3A_206, %add3A_207 : i32
      %mul3A_209 = arith.constant 80 : i32
      %mul3A_210 = arith.muli %add3A_208, %mul3A_209 : i32
      %dma_start3A_211 = tpu.memref_slice %arg5[%mul3A_210] : memref<25600xi32, #tpu.memory_space<vmem>> -> memref<80xi32, #tpu.memory_space<vmem>>
      %dma_start3A_212 = arith.constant 0 : i32
      %dma_start3A_213 = arith.constant 0 : i32
      %dma_start3A_214 = tpu.memref_slice %arg2[%dma_start3A_212, %dma_start3A_213] : memref<32128x256xf32, #tpu.memory_space<hbm>> -> memref<32128x256xf32, #tpu.memory_space<hbm>>
      tpu.enqueue_indirect_dma source(%dma_start3A_214 : memref<32128x256xf32, #tpu.memory_space<hbm>>) target(%arg9 : memref<80x256xf32, #tpu.memory_space<vmem>>) offsets(%dma_start3A_211 : memref<80xi32, #tpu.memory_space<vmem>>) semaphore(%arg13 : memref<!tpu.dma_semaphore, #tpu.memory_space<semaphore_mem>>)
    }
    %scan3A_26 = arith.constant 79 : i32
    %dma_wait3A = arith.constant 0 : i32
    %dma_wait3A_27 = tpu.memref_slice %arg5[%dma_wait3A] : memref<25600xi32, #tpu.memory_space<vmem>> -> memref<80xi32, #tpu.memory_space<vmem>>
    %dma_wait3A_28 = arith.constant 0 : i32
    %dma_wait3A_29 = arith.constant 0 : i32
    %dma_wait3A_30 = tpu.memref_slice %arg2[%dma_wait3A_28, %dma_wait3A_29] : memref<32128x256xf32, #tpu.memory_space<hbm>> -> memref<32128x256xf32, #tpu.memory_space<hbm>>
    tpu.wait_indirect_dma semaphore(%arg10 : memref<!tpu.dma_semaphore, #tpu.memory_space<semaphore_mem>>) src(%dma_wait3A_30 : memref<32128x256xf32, #tpu.memory_space<hbm>>) dst(%arg6 : memref<80x256xf32, #tpu.memory_space<vmem>>)
    %add3A_31 = arith.constant 25280 : i32
    %add3A_32 = arith.addi %mul3A_2, %add3A_31 : i32
    %dma_start3A_33 = arith.constant 0 : i32
    %dma_start3A_34 = tpu.memref_slice %arg4[%add3A_32, %dma_start3A_33] : memref<819200x256xf32, #tpu.memory_space<hbm>> -> memref<80x256xf32, #tpu.memory_space<hbm>>
    %dma_start3A_35 = arith.constant 0 : i32
    %dma_start3A_36 = tpu.memref_slice %arg4[%add3A_32, %dma_start3A_35] : memref<819200x256xf32, #tpu.memory_space<hbm>> -> memref<80x256xf32, #tpu.memory_space<hbm>>
    tpu.enqueue_dma source(%arg6 : memref<80x256xf32, #tpu.memory_space<vmem>>) target(%dma_start3A_36 : memref<80x256xf32, #tpu.memory_space<hbm>>) target_semaphore(%arg14 : memref<!tpu.dma_semaphore, #tpu.memory_space<semaphore_mem>>)
    %dma_wait3A_37 = arith.constant 0 : i32
    %dma_wait3A_38 = tpu.memref_slice %arg5[%dma_wait3A_37] : memref<25600xi32, #tpu.memory_space<vmem>> -> memref<80xi32, #tpu.memory_space<vmem>>
    %dma_wait3A_39 = arith.constant 0 : i32
    %dma_wait3A_40 = arith.constant 0 : i32
    %dma_wait3A_41 = tpu.memref_slice %arg2[%dma_wait3A_39, %dma_wait3A_40] : memref<32128x256xf32, #tpu.memory_space<hbm>> -> memref<32128x256xf32, #tpu.memory_space<hbm>>
    tpu.wait_indirect_dma semaphore(%arg11 : memref<!tpu.dma_semaphore, #tpu.memory_space<semaphore_mem>>) src(%dma_wait3A_41 : memref<32128x256xf32, #tpu.memory_space<hbm>>) dst(%arg7 : memref<80x256xf32, #tpu.memory_space<vmem>>)
    %add3A_42 = arith.constant 25360 : i32
    %add3A_43 = arith.addi %mul3A_2, %add3A_42 : i32
    %dma_start3A_44 = arith.constant 0 : i32
    %dma_start3A_45 = tpu.memref_slice %arg4[%add3A_43, %dma_start3A_44] : memref<819200x256xf32, #tpu.memory_space<hbm>> -> memref<80x256xf32, #tpu.memory_space<hbm>>
    %dma_start3A_46 = arith.constant 0 : i32
    %dma_start3A_47 = tpu.memref_slice %arg4[%add3A_43, %dma_start3A_46] : memref<819200x256xf32, #tpu.memory_space<hbm>> -> memref<80x256xf32, #tpu.memory_space<hbm>>
    tpu.enqueue_dma source(%arg7 : memref<80x256xf32, #tpu.memory_space<vmem>>) target(%dma_start3A_47 : memref<80x256xf32, #tpu.memory_space<hbm>>) target_semaphore(%arg15 : memref<!tpu.dma_semaphore, #tpu.memory_space<semaphore_mem>>)
    %dma_wait3A_48 = arith.constant 0 : i32
    %dma_wait3A_49 = tpu.memref_slice %arg5[%dma_wait3A_48] : memref<25600xi32, #tpu.memory_space<vmem>> -> memref<80xi32, #tpu.memory_space<vmem>>
    %dma_wait3A_50 = arith.constant 0 : i32
    %dma_wait3A_51 = arith.constant 0 : i32
    %dma_wait3A_52 = tpu.memref_slice %arg2[%dma_wait3A_50, %dma_wait3A_51] : memref<32128x256xf32, #tpu.memory_space<hbm>> -> memref<32128x256xf32, #tpu.memory_space<hbm>>
    tpu.wait_indirect_dma semaphore(%arg12 : memref<!tpu.dma_semaphore, #tpu.memory_space<semaphore_mem>>) src(%dma_wait3A_52 : memref<32128x256xf32, #tpu.memory_space<hbm>>) dst(%arg8 : memref<80x256xf32, #tpu.memory_space<vmem>>)
    %add3A_53 = arith.constant 25440 : i32
    %add3A_54 = arith.addi %mul3A_2, %add3A_53 : i32
    %dma_start3A_55 = arith.constant 0 : i32
    %dma_start3A_56 = tpu.memref_slice %arg4[%add3A_54, %dma_start3A_55] : memref<819200x256xf32, #tpu.memory_space<hbm>> -> memref<80x256xf32, #tpu.memory_space<hbm>>
    %dma_start3A_57 = arith.constant 0 : i32
    %dma_start3A_58 = tpu.memref_slice %arg4[%add3A_54, %dma_start3A_57] : memref<819200x256xf32, #tpu.memory_space<hbm>> -> memref<80x256xf32, #tpu.memory_space<hbm>>
    tpu.enqueue_dma source(%arg8 : memref<80x256xf32, #tpu.memory_space<vmem>>) target(%dma_start3A_58 : memref<80x256xf32, #tpu.memory_space<hbm>>) target_semaphore(%arg16 : memref<!tpu.dma_semaphore, #tpu.memory_space<semaphore_mem>>)
    %dma_wait3A_59 = arith.constant 0 : i32
    %dma_wait3A_60 = tpu.memref_slice %arg5[%dma_wait3A_59] : memref<25600xi32, #tpu.memory_space<vmem>> -> memref<80xi32, #tpu.memory_space<vmem>>
    %dma_wait3A_61 = arith.constant 0 : i32
    %dma_wait3A_62 = arith.constant 0 : i32
    %dma_wait3A_63 = tpu.memref_slice %arg2[%dma_wait3A_61, %dma_wait3A_62] : memref<32128x256xf32, #tpu.memory_space<hbm>> -> memref<32128x256xf32, #tpu.memory_space<hbm>>
    tpu.wait_indirect_dma semaphore(%arg13 : memref<!tpu.dma_semaphore, #tpu.memory_space<semaphore_mem>>) src(%dma_wait3A_63 : memref<32128x256xf32, #tpu.memory_space<hbm>>) dst(%arg9 : memref<80x256xf32, #tpu.memory_space<vmem>>)
    %add3A_64 = arith.constant 25520 : i32
    %add3A_65 = arith.addi %mul3A_2, %add3A_64 : i32
    %dma_start3A_66 = arith.constant 0 : i32
    %dma_start3A_67 = tpu.memref_slice %arg4[%add3A_65, %dma_start3A_66] : memref<819200x256xf32, #tpu.memory_space<hbm>> -> memref<80x256xf32, #tpu.memory_space<hbm>>
    %dma_start3A_68 = arith.constant 0 : i32
    %dma_start3A_69 = tpu.memref_slice %arg4[%add3A_65, %dma_start3A_68] : memref<819200x256xf32, #tpu.memory_space<hbm>> -> memref<80x256xf32, #tpu.memory_space<hbm>>
    tpu.enqueue_dma source(%arg9 : memref<80x256xf32, #tpu.memory_space<vmem>>) target(%dma_start3A_69 : memref<80x256xf32, #tpu.memory_space<hbm>>) target_semaphore(%arg17 : memref<!tpu.dma_semaphore, #tpu.memory_space<semaphore_mem>>)
    %dma_wait3A_70 = arith.constant 0 : i32
    %dma_wait3A_71 = tpu.memref_slice %arg4[%mul3A_2, %dma_wait3A_70] : memref<819200x256xf32, #tpu.memory_space<hbm>> -> memref<80x256xf32, #tpu.memory_space<hbm>>
    %dma_wait3A_72 = arith.constant 0 : i32
    %dma_wait3A_73 = tpu.memref_slice %arg4[%mul3A_2, %dma_wait3A_72] : memref<819200x256xf32, #tpu.memory_space<hbm>> -> memref<80x256xf32, #tpu.memory_space<hbm>>
    tpu.wait_dma2 semaphore(%arg14 : memref<!tpu.dma_semaphore, #tpu.memory_space<semaphore_mem>>) src(%arg6 : memref<80x256xf32, #tpu.memory_space<vmem>>) dst(%dma_wait3A_73 : memref<80x256xf32, #tpu.memory_space<hbm>>)
    %dma_wait3A_74 = arith.constant 0 : i32
    %dma_wait3A_75 = tpu.memref_slice %arg4[%mul3A_2, %dma_wait3A_74] : memref<819200x256xf32, #tpu.memory_space<hbm>> -> memref<80x256xf32, #tpu.memory_space<hbm>>
    %dma_wait3A_76 = arith.constant 0 : i32
    %dma_wait3A_77 = tpu.memref_slice %arg4[%mul3A_2, %dma_wait3A_76] : memref<819200x256xf32, #tpu.memory_space<hbm>> -> memref<80x256xf32, #tpu.memory_space<hbm>>
    tpu.wait_dma2 semaphore(%arg15 : memref<!tpu.dma_semaphore, #tpu.memory_space<semaphore_mem>>) src(%arg7 : memref<80x256xf32, #tpu.memory_space<vmem>>) dst(%dma_wait3A_77 : memref<80x256xf32, #tpu.memory_space<hbm>>)
    %dma_wait3A_78 = arith.constant 0 : i32
    %dma_wait3A_79 = tpu.memref_slice %arg4[%mul3A_2, %dma_wait3A_78] : memref<819200x256xf32, #tpu.memory_space<hbm>> -> memref<80x256xf32, #tpu.memory_space<hbm>>
    %dma_wait3A_80 = arith.constant 0 : i32
    %dma_wait3A_81 = tpu.memref_slice %arg4[%mul3A_2, %dma_wait3A_80] : memref<819200x256xf32, #tpu.memory_space<hbm>> -> memref<80x256xf32, #tpu.memory_space<hbm>>
    tpu.wait_dma2 semaphore(%arg16 : memref<!tpu.dma_semaphore, #tpu.memory_space<semaphore_mem>>) src(%arg8 : memref<80x256xf32, #tpu.memory_space<vmem>>) dst(%dma_wait3A_81 : memref<80x256xf32, #tpu.memory_space<hbm>>)
    %dma_wait3A_82 = arith.constant 0 : i32
    %dma_wait3A_83 = tpu.memref_slice %arg4[%mul3A_2, %dma_wait3A_82] : memref<819200x256xf32, #tpu.memory_space<hbm>> -> memref<80x256xf32, #tpu.memory_space<hbm>>
    %dma_wait3A_84 = arith.constant 0 : i32
    %dma_wait3A_85 = tpu.memref_slice %arg4[%mul3A_2, %dma_wait3A_84] : memref<819200x256xf32, #tpu.memory_space<hbm>> -> memref<80x256xf32, #tpu.memory_space<hbm>>
    tpu.wait_dma2 semaphore(%arg17 : memref<!tpu.dma_semaphore, #tpu.memory_space<semaphore_mem>>) src(%arg9 : memref<80x256xf32, #tpu.memory_space<vmem>>) dst(%dma_wait3A_85 : memref<80x256xf32, #tpu.memory_space<hbm>>)
    return
  }
}

</mosaic_0001>

<sc_bundles>
// kernel: kernel.3.cloned.1.call-start
scs
__scs_entry_jumppad:
0x0: {  	(pc) =	sbr.rel $0x88, $3  }
0x1: {  	(tag) =	ssettag $0x0;
	lr =	simm.s32 $0x1  }
0x2: {  	[smem:$0x3F9F] =	sst lr;
	_ =	strace $0xD0000000  }
0x3: {  	_ = 	snop  }
0x4: {  	_ = 	snop  }
0x5: {  	_ = 	snop  }
0x6: {  	_ = 	snop  }
0x7: {  	_ = 	snop  }
__scs_overlays_trampoline_lowered:
0x8: {  	[smem:$0x3FAE] =	sst s0  }
0x9: {  	[smem:$0x3FAF] =	sst s1  }
0xa: {  	[smem:$0x3FB0] =	sst s2  }
0xb: {  	[smem:$0x3FB1] =	sst s3  }
0xc: {  	[smem:$0x3FB2] =	sst s4  }
0xd: {  	[smem:$0x3FB3] =	sst s5  }
0xe: {  	[smem:$0x3FB4] =	sst s6  }
0xf: {  	[smem:$0x3FB5] =	sst s7  }
0x10: {  	[smem:$0x3FB6] =	sst s8  }
0x11: {  	[smem:$0x3FB7] =	sst s9;
	s0 =	simm.s32 @!p0 $0x0  }
0x12: {  	s1 =	sld [smem:$0x3F9D];
	s0 =	simm.s32 @p0 $0x1  }
0x13: {  	[smem:$0x3FB8] =	sst s0;
	s0 =	simm.s32 @!p1 $0x0  }
0x14: {  	s2 =	sld [smem:$0x3F9C];
	s0 =	simm.s32 @p1 $0x1  }
0x15: {  	[smem:$0x3FB9] =	sst s0;
	s0 =	simm.s32 @!p2 $0x0  }
0x16: {  	s3 =	sld [smem:$0x3FDB];
	s0 =	simm.s32 @p2 $0x1  }
0x17: {  	s4 =	simm.s32 $0x1BF5;
	[smem:$0x3FBB] =	sst s0  }
0x18: {  	s0 =	sld [smem:$0x3F9E];
	_ =	swait.ge [sflag:s4], $0x0  }
0x19: {  	s7 =	sld [smem:$0x3F9F]  }
0x1a: {  	s8 =	sadd.s32 $0xFFFFE003, lr  }
0x1b: {  	s9 =	sadd.s32 $0xFFFFFEF7, lr;
	s5 =	simm.s32 $0xFFFFFFFF;
	p2 =	slt.u32 s8, $0xFFFFF086  }
0x1c: {  	p1 =	slt.u32 s9, $0xF7A;
	s5 =	simm.s32 @!p2 $0x0  }
0x1d: {  	s5 =	simm.s32 @p1 $0x1;
	p0 =	seq.s32 s7, s2  }
0x1e: {  	s7 =	smul.u32 @!p0 $0xF7A, s2;
	p2 =	seq.s32 @!p0 s5, $0x0  }
0x1f: {  	s9 =	smul.u32 $0xF7A, s1;
	s8 =	simm.s32 @!p0 $0x1BF5;
	p2 =	por !p2, p0  }
0x20: {  	[sflag:s8] =	ssyncset.s32 @!p0 $0xFFFFF086;
	s6 =	sadd.s32 @!p0 s3, s7;
	s7 =	simm.s32 @!p0 $0x108  }
0x21: {  	s3 =	sadd.s32 s3, s9;
	s6 =	sadd.s32 @!p0 $0x88, s6;
	s7 =	simm.s32 @p2 $0x1082  }
0x22: {  	[simem:s7], [sflag:s8] =	dma.local @!p0 [hbm:s6], $0xF7A  }
0x23: {  	s9 =	sor.u32 $0xD0000000, s2;
	s6 =	simm.s32 $0x108;
	_ =	swait.ge @!p0 [sflag:s8], $0x0  }
0x24: {  	s3 =	sadd.s32 $0x88, s3;
	s6 =	simm.s32 @!p1 $0x1082;
	[sflag:s4] =	ssyncset.s32 $0xFFFFF086  }
0x25: {  	[simem:s6], [sflag:s4] =	dma.local [hbm:s3], $0xF7A  }
0x26: {  	[smem:$0x3F9F] =	sst s1;
	(tag) =	ssettag s2;
	_ =	strace s9  }
0x27: {  	s1 =	sld [smem:$0x3FAF]  }
0x28: {  	s2 =	sld [smem:$0x3FB0]  }
0x29: {  	s4 =	sld [smem:$0x3FB2]  }
0x2a: {  	p0 =	seq.s32 s5, $0x0;
	s5 =	sld [smem:$0x3FB3]  }
0x2b: {  	s6 =	sld [smem:$0x3FB4]  }
0x2c: {  	s7 =	sld [smem:$0x3FB5]  }
0x2d: {  	s3 =	simm.s32 $0x108;
	s8 =	sld [smem:$0x3FB6]  }
0x2e: {  	s3 =	simm.s32 @!p0 $0x1082;
	s9 =	sld [smem:$0x3FB7]  }
0x2f: {  	lr =	sadd.s32 s0, s3;
	s0 =	sld [smem:$0x3FAE]  }
0x30: {  	s3 =	sld [smem:$0x3FB1]  }
0x31: {  	[smem:$0x3FBA] =	sst s10  }
0x32: {  	s10 =	sld [smem:$0x3FB8];
	_ =	sdelay $0x3  }
0x33: {  	p0 =	seq.s32 s10, $0x1;
	s10 =	sld [smem:$0x3FBA];
	_ =	sdelay $0x3  }
0x34: {  	[smem:$0x3FBA] =	sst s10  }
0x35: {  	s10 =	sld [smem:$0x3FB9];
	_ =	sdelay $0x3  }
0x36: {  	p1 =	seq.s32 s10, $0x1;
	s10 =	sld [smem:$0x3FBA];
	_ =	sdelay $0x3  }
0x37: {  	[smem:$0x3FBA] =	sst s10  }
0x38: {  	s10 =	sld [smem:$0x3FBB]  }
0x39: {  	_ = 	snop;
	(pc) =	sbr.ind lr, $3  }
0x3a: {  	_ = 	snop  }
0x3b: {  	_ = 	snop  }
0x3c: {  	p2 =	seq.s32 s10, $0x1;
	s10 =	sld [smem:$0x3FBA]  }
0x3d: {  	_ =	shalt  }
0x3e: {  	_ =	shalt  }
0x3f: {  	_ =	shalt  }
0x40: {  	_ =	shalt  }
0x41: {  	_ =	shalt  }
0x42: {  	_ =	shalt  }
0x43: {  	_ =	shalt  }
0x44: {  	_ =	shalt  }
0x45: {  	_ =	shalt  }
0x46: {  	_ =	shalt  }
0x47: {  	_ =	shalt  }
0x48: {  	_ =	shalt  }
0x49: {  	_ =	shalt  }
0x4a: {  	_ =	shalt  }
0x4b: {  	_ =	shalt  }
0x4c: {  	_ =	shalt  }
0x4d: {  	_ =	shalt  }
0x4e: {  	_ =	shalt  }
0x4f: {  	_ =	shalt  }
0x50: {  	_ =	shalt  }
0x51: {  	_ =	shalt  }
0x52: {  	_ =	shalt  }
0x53: {  	_ =	shalt  }
0x54: {  	_ =	shalt  }
0x55: {  	_ =	shalt  }
0x56: {  	_ =	shalt  }
0x57: {  	_ =	shalt  }
0x58: {  	_ =	shalt  }
0x59: {  	_ =	shalt  }
0x5a: {  	_ =	shalt  }
0x5b: {  	_ =	shalt  }
0x5c: {  	_ =	shalt  }
0x5d: {  	_ =	shalt  }
0x5e: {  	_ =	shalt  }
0x5f: {  	_ =	shalt  }
0x60: {  	_ =	shalt  }
0x61: {  	_ =	shalt  }
0x62: {  	_ =	shalt  }
0x63: {  	_ =	shalt  }
0x64: {  	_ =	shalt  }
0x65: {  	_ =	shalt  }
0x66: {  	_ =	shalt  }
0x67: {  	_ =	shalt  }
0x68: {  	_ =	shalt  }
0x69: {  	_ =	shalt  }
0x6a: {  	_ =	shalt  }
0x6b: {  	_ =	shalt  }
0x6c: {  	_ =	shalt  }
0x6d: {  	_ =	shalt  }
0x6e: {  	_ =	shalt  }
0x6f: {  	_ =	shalt  }
0x70: {  	_ =	shalt  }
0x71: {  	_ =	shalt  }
0x72: {  	_ =	shalt  }
0x73: {  	_ =	shalt  }
0x74: {  	_ =	shalt  }
0x75: {  	_ =	shalt  }
0x76: {  	_ =	shalt  }
0x77: {  	_ =	shalt  }
0x78: {  	_ =	shalt  }
0x79: {  	_ =	shalt  }
0x7a: {  	_ =	shalt  }
0x7b: {  	_ =	shalt  }
0x7c: {  	_ =	shalt  }
0x7d: {  	_ =	shalt  }
0x7e: {  	_ =	shalt  }
0x7f: {  	_ =	shalt  }
0x80: {  	_ =	shalt  }
0x81: {  	_ =	shalt  }
0x82: {  	_ =	shalt  }
0x83: {  	_ =	shalt  }
0x84: {  	_ =	shalt  }
0x85: {  	_ =	shalt  }
0x86: {  	_ =	shalt  }
0x87: {  	_ =	shalt  }
.Lfunc_end0:
.L_simem_size_0:
called_computation_lowered:
.L_overlay_start_0:
0x88: {  	s2 =	sld [smem:$0x3FD9]  }
0x89: {  	s3 =	sld [smem:$0x3FFE];
	_ =	sdelay $0x1  }
0x8a: {  	s1 =	srdreg.scid  }
0x8b: {  	s0 =	sand.u32 $0x1, s1  }
0x8c: {  	s17 =	sshll.u32 s0, $0xA;
	s2 =	sadd.s32 s3, s2  }
0x8d: {  	s2 =	sadd.s32 s2, s17  }
0x8e: {  	[smem:$0x3FC6] =	sst s2  }
0x8f: {  	_ = 	snop  }
0x90: {  	s2 =	sld [smem:$0x3FC8]  }
0x91: {  	s18 =	sld [smem:$0x3FD0];
	(tm) =	ssettm $0x1  }
0x92: {  	s4 =	sld [smem:$0x3FFB];
	_ =	sdelay $0x3  }
0x93: {  	_ =	strace s4  }
0x94: {  	s4 =	sld [smem:$0x3FFC];
	_ =	sdelay $0x3  }
0x95: {  	_ =	strace s4  }
0x96: {  	s4 =	sld [smem:$0x3FFD];
	_ =	sdelay $0x3  }
0x97: {  	_ =	strace s4  }
0x98: {  	_ =	strace $0x8FFFFFFF  }
0x99: {  	s19 =	sld [smem:$0x3FDB];
	_ =	sdelay $0x1  }
0x9a: {  	s5 =	simm.s32 $_scs_section_size  }
0x9b: {  	s6 =	simm.s32 $_size__tile_overlayer_lowered;
	s7 =	simm.s32 $_tile_overlayer_lowered  }
0x9c: {  	s22 =	simm.s32 $0x1BFF;
	s21 =	sshll.u32 s7, $0x1;
	s4 =	sadd.s32 s5, s19  }
0x9d: {  	s8 =	simm.s32 $0x0;
	s20 =	sshll.u32 s6, $0x1;
	s6 =	sadd.s32 s21, s4  }
0x9e: {  	[timem:s8], [sflag:s22] =	dma.local [hbm:s6], s20  }
0x9f: {  	_ =	swait.ge [sflag:s22], s20  }
0xa0: {  	s5 =	ssub.s32 $0x0, s20;
	[sflag:s22] =	ssyncset.done $0x0  }
0xa1: {  	[sflag:s22] =	ssyncadd.s32 s5;
	_ =	sdelay $0x1  }
0xa2: {  	s23 =	simm.s32 $0x1B8B  }
0xa3: {  	_ =	swait.ge [sflag:s23], $0x1  }
0xa4: {  	[sflag:s23] =	ssyncset.done $0x0  }
0xa5: {  	s25 =	simm.s32 $0x1B8E;
	s24 =	sld [smem:$0x3FFE];
	[sflag:s23] =	ssyncadd.s32 $0xFFFFFFFF  }
0xa6: {  	s26 =	simm.s32 $execute0_lowered;
	[smem:$0x3FD2] =	sst s25  }
0xa7: {  	s6 =	sshll.u32 s26, $0x1;
	_ =	strace $0x80000046;
	[dreg:$0x1] =	wrdreg $0xFFFFFFFF  }
0xa8: {  	s28 =	simm.s32 $_size_execute0_lowered;
	s4 =	sadd.s32 s4, s6;
	[dreg:$0x0] =	wrdreg $0x0  }
0xa9: {  	s6 =	sshll.u32 s28, $0x1;
	[dreg:$0x2] =	wrdreg s4  }
0xaa: {  	[dreg:$0x3] =	wrdreg s6  }
0xab: {  	[dreg:$0x4] =	wrdreg $0xC0  }
0xac: {  	_ =	task [dreg:s8], $0x5FFFF  }
0xad: {  	[dreg:$0x1] =	wrdreg $0xFFFFFFFF  }
0xae: {  	[dreg:$0x0] =	wrdreg $0x60  }
0xaf: {  	[dreg:$0x2] =	wrdreg s2  }
0xb0: {  	[dreg:$0x3] =	wrdreg s24  }
0xb1: {  	[dreg:$0x4] =	wrdreg s18  }
0xb2: {  	[dreg:$0x5] =	wrdreg $0x9  }
0xb3: {  	_ =	task.clear_ibuf [dreg:s8], $0x6FFFF;
	_ =	strace $0x90000046  }
0xb4: {  	s29 =	simm.s32 $0x9;
	_ =	strace $0x80000048  }
0xb5: {  	_ =	swait.ge [sflag:s29], $0x1  }
0xb6: {  	[sflag:s29] =	ssyncadd.s32 $0xFFFFFFFF  }
0xb7: {  	_ =	strace $0x90000048  }
0xb8: {  	_ =	sfence  }
0xb9: {  	s30 =	sld [smem:$0x0];
	_ =	sdelay $0x2  }
0xba: {  	s31 =	sshll.u32 s1, $0xD;
	s1 =	sshrl.u32 s1, $0x2  }
0xbb: {  	s3 =	sand.u32 $0x4000, s31;
	s1 =	sadd.s32 s1, s30  }
0xbc: {  	s0 =	sor.u32 s3, s0;
	s1 =	sshll.u32 s1, $0x11  }
0xbd: {  	s0 =	sor.u32 s1, s0  }
0xbe: {  	s0 =	sadd.s32 $0x8F2B, s0  }
0xbf: {  	[sflag:s0] =	ssyncadd.remote.s32 $0x1  }
0xc0: {  	_ =	sfence.sel $0xFFFF  }
0xc1: {  	[dreg:$0x0] =	wrdreg $0xFFFFFFFF;
	(pc) =	sbr.abs _section_cstart, $3  }
0xc2: {  	[dreg:$0x1] =	wrdreg $0xFFFFFFFF  }
0xc3: {  	_ =	task.clear_ibuf [dreg:s8], $0x2FFFF;
	_ =	strace $0x9FFFFFFF  }
0xc4: {  	(tm) =	ssettm $0x7FFFFFFF  }
0xc5: {  	_ =	shalt  }
tec
execute0_lowered:
.L_overlay_start_1:
0x0: {  	(tag) =	ssettag $0x1  }
0x1: {  	s1 =	rddreg [dreg:$0x0];
	s0 =	srdreg.scid  }
0x2: {  	s8 =	stileid.u32;
	s2 =	rddreg [dreg:$0x1]  }
0x3: {  	s4 =	rddreg [dreg:$0x2];
	s10 =	simm.s32 $0x9400;
	s12 =	simm.s32 $0x9C00  }
0x4: {  	s14 =	simm.s32 $0xA400;
	s15 =	simm.s32 $0xAC00;
	s16 =	simm.s32 $0xBC00  }
0x5: {  	s17 =	simm.s32 $0xC400;
	s18 =	simm.s32 $0xCC00;
	s11 =	simm.s32 $0xEC00  }
0x6: {  	s9 =	simm.s32 $0x10400;
	s13 =	simm.s32 $0x15400;
	s28 =	simm.s32 $0x4  }
0x7: {  	s29 =	simm.s32 $0x5;
	s30 =	simm.s32 $0x6;
	s31 =	simm.s32 $0x7  }
0x8: {  	s0 =	sand.u32 $0x1, s0;
	s3 =	sshll.u32 s8, $0x1;
	s20 =	smul.u32 $0x190000, s8  }
0x9: {  	s5 =	sor.u32 s0, s3;
	s7 =	ssub.s32 $0x2, s0;
	s0 =	smul.u32 $0xC8000, s0  }
0xa: {  	s8 =	simm.s32 $0x8400;
	s3 =	simm.s32 $0x0;
	s6 =	smul.u32 $0x6400, s5  }
0xb: {  	[smem:$0x7FF] =	sst s3;
	s5 =	smul.u32 $0x640000, s5;
	s24 =	sadd.s32 s20, s4  }
0xc: {  	s19 =	sshrl.u32 s7, $0x1;
	_ =	strace $0x80000047;
	s0 =	sadd.s32 s0, s24  }
0xd: {  	s6 =	sshrl.u32 s6, $0x3;
	s5 =	sshrl.u32 s5, $0x3;
	[dreg:$0x4] =	wrdreg s0  }
0xe: {  	s2 =	sadd.s32 s6, s2;
	s5 =	sadd.s32 s4, s5;
	s4 =	simm.s32 $0x0  }
0xf: {  	s20 =	simm.s32 $0xDC00;
	s2 =	sadd.s32 $0x400, s2;
	[dreg:$0xb] =	wrdreg s4  }
0x10: {  	s24 =	simm.s32 $0x1;
	s21 =	sadd.s32 $0xC5800, s5;
	[dreg:$0x5] =	wrdreg s2  }
0x11: {  	s0 =	simm.s32 $0x8;
	s22 =	sadd.s32 $0xC6200, s5;
	[dreg:$0x6] =	wrdreg s21  }
0x12: {  	s6 =	ssub.s32 s7, s19;
	s23 =	sadd.s32 $0xC6C00, s5;
	[dreg:$0x7] =	wrdreg s22  }
0x13: {  	s7 =	simm.s32 $0x7400;
	s25 =	sadd.s32 $0xC7600, s5;
	[dreg:$0x8] =	wrdreg s23  }
0x14: {  	s19 =	simm.s32 $0xD400;
	s26 =	smax.u32 s6, $0x1;
	[dreg:$0x9] =	wrdreg s25  }
0x15: {  	v2 =	vlaneseq.u32;
	s6 =	simm.s32 $0x6C00;
	s5 =	simm.s32 $0x7C00;
	[dreg:$0xa] =	wrdreg s26  }
0x16: {  	vm0 =	vmmov $0xffff;
	v1 =	vshrl.u32 v2, $0x3;
	s21 =	simm.s32 $0x6400;
	s23 =	simm.s32 $0x8C00;
	s2 =	simm.s32 $0xB400  }
0x17: {  	v0 =	vand.u32 $0x7, v2;
	v2 =	vor.u32 $0x8, v2;
	v1 =	vmul.u32 $0x8, v1;
	s22 =	simm.s32 $0xE400;
	s25 =	simm.s32 $0x2;
	s26 =	simm.s32 $0x3  }
.LBB2_1:
0x18: {  	s4 =	rddreg [dreg:$0x5]  }
0x19: {  	[tilespmem:s3], [sflag:$0x9] =	stream.linear.gather [hbm4b:s4+s3], $0x6400, $0x38;
	[tilespmem:$0x1A400] =	vst v63  }
0x1a: {  	s4 =	simm.s32 $0x9  }
0x1b: {  	_ =	swait.ge [sflag:s4], $0x6400  }
0x1c: {  	[sflag:s4] =	ssyncset.done $0x0  }
0x1d: {  	[sflag:s4] =	ssyncadd.s32 $0xFFFF9C00  }
0x1e: {  	v3 =	vld [tilespmem:$0x0];
	_ =	sdelay $0x4  }
0x1f: {  	v4 =	vshll.u32 v3, $0x1  }
0x20: {  	v3 =	vand.u32 $0x7, v3;
	v4 =	vand.u32 $0xFFFFFFF0, v4  }
0x21: {  	v3 =	vor.u32 v3, v4  }
0x22: {  	v4 =	vperm.xlane v3, v0;
	_ =	sdelay $0x1  }
0x23: {  	v3 =	vperm.xlane v3, v2;
	v4 =	vadd.s32 v1, v4;
	_ =	sdelay $0x1  }
0x24: {  	v3 =	vadd.s32 v1, v3;
	_ =	sdelay $0x2  }
0x25: {  	[tilespmem:s21], [sflag:$0x1] =	stream.indirect_vreg.gather [hbm4b:s1+s3], $0x80, v4, vm0, $0xb8;
	[tilespmem:$0x1A400] =	vst v63  }
0x26: {  	_ = 	snop  }
0x27: {  	[tilespmem:s6], [sflag:$0x1] =	stream.indirect_vreg.gather [hbm4b:s1+s3], $0x80, v3, vm0, $0xb8;
	[tilespmem:$0x1A400] =	vst v63  }
0x28: {  	v3 =	vld [tilespmem:$0x10];
	_ =	sdelay $0x4  }
0x29: {  	v45 =	vshll.u32 v3, $0x1  }
0x2a: {  	v3 =	vand.u32 $0x7, v3;
	v4 =	vand.u32 $0xFFFFFFF0, v45  }
0x2b: {  	v3 =	vor.u32 v3, v4  }
0x2c: {  	v4 =	vperm.xlane v3, v0;
	_ =	sdelay $0x1  }
0x2d: {  	v3 =	vperm.xlane v3, v2;
	v4 =	vadd.s32 v1, v4;
	_ =	sdelay $0x1  }
0x2e: {  	v3 =	vadd.s32 v1, v3;
	_ =	sdelay $0x2  }
0x2f: {  	[tilespmem:s7], [sflag:$0x1] =	stream.indirect_vreg.gather [hbm4b:s1+s3], $0x80, v4, vm0, $0xb8;
	[tilespmem:$0x1A400] =	vst v63  }
0x30: {  	_ = 	snop  }
0x31: {  	[tilespmem:s5], [sflag:$0x1] =	stream.indirect_vreg.gather [hbm4b:s1+s3], $0x80, v3, vm0, $0xb8;
	[tilespmem:$0x1A400] =	vst v63  }
0x32: {  	v3 =	vld [tilespmem:$0x20];
	_ =	sdelay $0x4  }
0x33: {  	v46 =	vshll.u32 v3, $0x1  }
0x34: {  	v3 =	vand.u32 $0x7, v3;
	v4 =	vand.u32 $0xFFFFFFF0, v46  }
0x35: {  	v3 =	vor.u32 v3, v4  }
0x36: {  	v4 =	vperm.xlane v3, v0;
	_ =	sdelay $0x1  }
0x37: {  	v3 =	vperm.xlane v3, v2;
	v4 =	vadd.s32 v1, v4;
	_ =	sdelay $0x1  }
0x38: {  	v3 =	vadd.s32 v1, v3;
	_ =	sdelay $0x2  }
0x39: {  	[tilespmem:s8], [sflag:$0x1] =	stream.indirect_vreg.gather [hbm4b:s1+s3], $0x80, v4, vm0, $0xb8;
	[tilespmem:$0x1A400] =	vst v63  }
0x3a: {  	_ = 	snop  }
0x3b: {  	[tilespmem:s23], [sflag:$0x1] =	stream.indirect_vreg.gather [hbm4b:s1+s3], $0x80, v3, vm0, $0xb8;
	[tilespmem:$0x1A400] =	vst v63  }
0x3c: {  	v3 =	vld [tilespmem:$0x30];
	_ =	sdelay $0x4  }
0x3d: {  	v47 =	vshll.u32 v3, $0x1  }
0x3e: {  	v3 =	vand.u32 $0x7, v3;
	v4 =	vand.u32 $0xFFFFFFF0, v47  }
0x3f: {  	v3 =	vor.u32 v3, v4  }
0x40: {  	v4 =	vperm.xlane v3, v0;
	_ =	sdelay $0x1  }
0x41: {  	v3 =	vperm.xlane v3, v2;
	v4 =	vadd.s32 v1, v4;
	_ =	sdelay $0x1  }
0x42: {  	v3 =	vadd.s32 v1, v3;
	_ =	sdelay $0x2  }
0x43: {  	[tilespmem:s10], [sflag:$0x1] =	stream.indirect_vreg.gather [hbm4b:s1+s3], $0x80, v4, vm0, $0xb8;
	[tilespmem:$0x1A400] =	vst v63  }
0x44: {  	_ = 	snop  }
0x45: {  	[tilespmem:s12], [sflag:$0x1] =	stream.indirect_vreg.gather [hbm4b:s1+s3], $0x80, v3, vm0, $0xb8;
	[tilespmem:$0x1A400] =	vst v63  }
0x46: {  	v3 =	vld [tilespmem:$0x40];
	_ =	sdelay $0x4  }
0x47: {  	v48 =	vshll.u32 v3, $0x1  }
0x48: {  	v3 =	vand.u32 $0x7, v3;
	v4 =	vand.u32 $0xFFFFFFF0, v48  }
0x49: {  	v3 =	vor.u32 v3, v4  }
0x4a: {  	v4 =	vperm.xlane v3, v0;
	_ =	sdelay $0x1  }
0x4b: {  	v3 =	vperm.xlane v3, v2;
	v4 =	vadd.s32 v1, v4;
	_ =	sdelay $0x1  }
0x4c: {  	v3 =	vadd.s32 v1, v3;
	_ =	sdelay $0x2  }
0x4d: {  	[tilespmem:s14], [sflag:$0x1] =	stream.indirect_vreg.gather [hbm4b:s1+s3], $0x80, v4, vm0, $0xb8;
	[tilespmem:$0x1A400] =	vst v63  }
0x4e: {  	_ = 	snop  }
0x4f: {  	[tilespmem:s15], [sflag:$0x1] =	stream.indirect_vreg.gather [hbm4b:s1+s3], $0x80, v3, vm0, $0xb8;
	[tilespmem:$0x1A400] =	vst v63  }
0x50: {  	v3 =	vld [tilespmem:$0x50];
	_ =	sdelay $0x4  }
0x51: {  	v49 =	vshll.u32 v3, $0x1  }
0x52: {  	v3 =	vand.u32 $0x7, v3;
	v4 =	vand.u32 $0xFFFFFFF0, v49  }
0x53: {  	v3 =	vor.u32 v3, v4  }
0x54: {  	v4 =	vperm.xlane v3, v0;
	_ =	sdelay $0x1  }
0x55: {  	v3 =	vperm.xlane v3, v2;
	v4 =	vadd.s32 v1, v4;
	_ =	sdelay $0x1  }
0x56: {  	v3 =	vadd.s32 v1, v3;
	_ =	sdelay $0x2  }
0x57: {  	[tilespmem:s2], [sflag:$0x2] =	stream.indirect_vreg.gather [hbm4b:s1+s3], $0x80, v4, vm0, $0xb8;
	[tilespmem:$0x1A400] =	vst v63  }
0x58: {  	_ = 	snop  }
0x59: {  	[tilespmem:s16], [sflag:$0x2] =	stream.indirect_vreg.gather [hbm4b:s1+s3], $0x80, v3, vm0, $0xb8;
	[tilespmem:$0x1A400] =	vst v63  }
0x5a: {  	v3 =	vld [tilespmem:$0x60];
	_ =	sdelay $0x4  }
0x5b: {  	v50 =	vshll.u32 v3, $0x1  }
0x5c: {  	v3 =	vand.u32 $0x7, v3;
	v4 =	vand.u32 $0xFFFFFFF0, v50  }
0x5d: {  	v3 =	vor.u32 v3, v4  }
0x5e: {  	v4 =	vperm.xlane v3, v0;
	_ =	sdelay $0x1  }
0x5f: {  	v3 =	vperm.xlane v3, v2;
	v4 =	vadd.s32 v1, v4;
	_ =	sdelay $0x1  }
0x60: {  	v3 =	vadd.s32 v1, v3;
	_ =	sdelay $0x2  }
0x61: {  	[tilespmem:s17], [sflag:$0x2] =	stream.indirect_vreg.gather [hbm4b:s1+s3], $0x80, v4, vm0, $0xb8;
	[tilespmem:$0x1A400] =	vst v63  }
0x62: {  	_ = 	snop  }
0x63: {  	[tilespmem:s18], [sflag:$0x2] =	stream.indirect_vreg.gather [hbm4b:s1+s3], $0x80, v3, vm0, $0xb8;
	[tilespmem:$0x1A400] =	vst v63  }
0x64: {  	v3 =	vld [tilespmem:$0x70];
	_ =	sdelay $0x4  }
0x65: {  	v51 =	vshll.u32 v3, $0x1  }
0x66: {  	v3 =	vand.u32 $0x7, v3;
	v4 =	vand.u32 $0xFFFFFFF0, v51  }
0x67: {  	v3 =	vor.u32 v3, v4  }
0x68: {  	v4 =	vperm.xlane v3, v0;
	_ =	sdelay $0x1  }
0x69: {  	v3 =	vperm.xlane v3, v2;
	v4 =	vadd.s32 v1, v4;
	_ =	sdelay $0x1  }
0x6a: {  	v3 =	vadd.s32 v1, v3;
	_ =	sdelay $0x2  }
0x6b: {  	[tilespmem:s19], [sflag:$0x2] =	stream.indirect_vreg.gather [hbm4b:s1+s3], $0x80, v4, vm0, $0xb8;
	[tilespmem:$0x1A400] =	vst v63  }
0x6c: {  	_ = 	snop  }
0x6d: {  	[tilespmem:s20], [sflag:$0x2] =	stream.indirect_vreg.gather [hbm4b:s1+s3], $0x80, v3, vm0, $0xb8;
	[tilespmem:$0x1A400] =	vst v63  }
0x6e: {  	v3 =	vld [tilespmem:$0x80];
	_ =	sdelay $0x4  }
0x6f: {  	v52 =	vshll.u32 v3, $0x1  }
0x70: {  	v3 =	vand.u32 $0x7, v3;
	v4 =	vand.u32 $0xFFFFFFF0, v52  }
0x71: {  	v3 =	vor.u32 v3, v4  }
0x72: {  	v4 =	vperm.xlane v3, v0;
	_ =	sdelay $0x1  }
0x73: {  	v3 =	vperm.xlane v3, v2;
	v4 =	vadd.s32 v1, v4;
	_ =	sdelay $0x1  }
0x74: {  	v3 =	vadd.s32 v1, v3;
	_ =	sdelay $0x2  }
0x75: {  	[tilespmem:s22], [sflag:$0x2] =	stream.indirect_vreg.gather [hbm4b:s1+s3], $0x80, v4, vm0, $0xb8;
	[tilespmem:$0x1A400] =	vst v63  }
0x76: {  	_ = 	snop  }
0x77: {  	[tilespmem:s11], [sflag:$0x2] =	stream.indirect_vreg.gather [hbm4b:s1+s3], $0x80, v3, vm0, $0xb8;
	[tilespmem:$0x1A400] =	vst v63  }
0x78: {  	v3 =	vld [tilespmem:$0x90];
	_ =	sdelay $0x4  }
0x79: {  	v53 =	vshll.u32 v3, $0x1  }
0x7a: {  	v3 =	vand.u32 $0x7, v3;
	v4 =	vand.u32 $0xFFFFFFF0, v53  }
0x7b: {  	v3 =	vor.u32 v3, v4  }
0x7c: {  	v4 =	vperm.xlane v3, v0;
	_ =	sdelay $0x1  }
0x7d: {  	v3 =	vperm.xlane v3, v2;
	v4 =	vadd.s32 v1, v4;
	_ =	sdelay $0x1  }
0x7e: {  	v3 =	vadd.s32 v1, v3;
	_ =	sdelay $0x1  }
0x7f: {  	s5 =	simm.s32 $0xF400  }
0x80: {  	[tilespmem:s5], [sflag:$0x2] =	stream.indirect_vreg.gather [hbm4b:s1+s3], $0x80, v4, vm0, $0xb8;
	[tilespmem:$0x1A400] =	vst v63  }
0x81: {  	s6 =	simm.s32 $0xFC00  }
0x82: {  	[tilespmem:s6], [sflag:$0x2] =	stream.indirect_vreg.gather [hbm4b:s1+s3], $0x80, v3, vm0, $0xb8;
	[tilespmem:$0x1A400] =	vst v63  }
0x83: {  	v3 =	vld [tilespmem:$0xA0];
	_ =	sdelay $0x4  }
0x84: {  	v54 =	vshll.u32 v3, $0x1  }
0x85: {  	v3 =	vand.u32 $0x7, v3;
	v4 =	vand.u32 $0xFFFFFFF0, v54  }
0x86: {  	v3 =	vor.u32 v3, v4  }
0x87: {  	v4 =	vperm.xlane v3, v0;
	_ =	sdelay $0x1  }
0x88: {  	v3 =	vperm.xlane v3, v2;
	v4 =	vadd.s32 v1, v4;
	_ =	sdelay $0x1  }
0x89: {  	v3 =	vadd.s32 v1, v3;
	_ =	sdelay $0x2  }
0x8a: {  	[tilespmem:s9], [sflag:$0x3] =	stream.indirect_vreg.gather [hbm4b:s1+s3], $0x80, v4, vm0, $0xb8;
	[tilespmem:$0x1A400] =	vst v63  }
0x8b: {  	s7 =	simm.s32 $0x10C00  }
0x8c: {  	[tilespmem:s7], [sflag:$0x3] =	stream.indirect_vreg.gather [hbm4b:s1+s3], $0x80, v3, vm0, $0xb8;
	[tilespmem:$0x1A400] =	vst v63  }
0x8d: {  	v3 =	vld [tilespmem:$0xB0];
	_ =	sdelay $0x4  }
0x8e: {  	v55 =	vshll.u32 v3, $0x1  }
0x8f: {  	v3 =	vand.u32 $0x7, v3;
	v4 =	vand.u32 $0xFFFFFFF0, v55  }
0x90: {  	v3 =	vor.u32 v3, v4  }
0x91: {  	v4 =	vperm.xlane v3, v0;
	_ =	sdelay $0x1  }
0x92: {  	v3 =	vperm.xlane v3, v2;
	v4 =	vadd.s32 v1, v4;
	_ =	sdelay $0x1  }
0x93: {  	v3 =	vadd.s32 v1, v3;
	_ =	sdelay $0x1  }
0x94: {  	s8 =	simm.s32 $0x11400  }
0x95: {  	[tilespmem:s8], [sflag:$0x3] =	stream.indirect_vreg.gather [hbm4b:s1+s3], $0x80, v4, vm0, $0xb8;
	[tilespmem:$0x1A400] =	vst v63  }
0x96: {  	s9 =	simm.s32 $0x11C00  }
0x97: {  	[tilespmem:s9], [sflag:$0x3] =	stream.indirect_vreg.gather [hbm4b:s1+s3], $0x80, v3, vm0, $0xb8;
	[tilespmem:$0x1A400] =	vst v63  }
0x98: {  	v3 =	vld [tilespmem:$0xC0];
	_ =	sdelay $0x4  }
0x99: {  	v56 =	vshll.u32 v3, $0x1  }
0x9a: {  	v3 =	vand.u32 $0x7, v3;
	v4 =	vand.u32 $0xFFFFFFF0, v56  }
0x9b: {  	v3 =	vor.u32 v3, v4  }
0x9c: {  	v4 =	vperm.xlane v3, v0;
	_ =	sdelay $0x1  }
0x9d: {  	v3 =	vperm.xlane v3, v2;
	v4 =	vadd.s32 v1, v4;
	_ =	sdelay $0x1  }
0x9e: {  	v3 =	vadd.s32 v1, v3;
	_ =	sdelay $0x1  }
0x9f: {  	s10 =	simm.s32 $0x12400  }
0xa0: {  	[tilespmem:s10], [sflag:$0x3] =	stream.indirect_vreg.gather [hbm4b:s1+s3], $0x80, v4, vm0, $0xb8;
	[tilespmem:$0x1A400] =	vst v63  }
0xa1: {  	s11 =	simm.s32 $0x12C00  }
0xa2: {  	[tilespmem:s11], [sflag:$0x3] =	stream.indirect_vreg.gather [hbm4b:s1+s3], $0x80, v3, vm0, $0xb8;
	[tilespmem:$0x1A400] =	vst v63  }
0xa3: {  	v3 =	vld [tilespmem:$0xD0];
	_ =	sdelay $0x4  }
0xa4: {  	v57 =	vshll.u32 v3, $0x1  }
0xa5: {  	v3 =	vand.u32 $0x7, v3;
	v4 =	vand.u32 $0xFFFFFFF0, v57  }
0xa6: {  	v3 =	vor.u32 v3, v4  }
0xa7: {  	v4 =	vperm.xlane v3, v0;
	_ =	sdelay $0x1  }
0xa8: {  	v3 =	vperm.xlane v3, v2;
	v4 =	vadd.s32 v1, v4;
	_ =	sdelay $0x1  }
0xa9: {  	v3 =	vadd.s32 v1, v3;
	_ =	sdelay $0x1  }
0xaa: {  	s12 =	simm.s32 $0x13400  }
0xab: {  	[tilespmem:s12], [sflag:$0x3] =	stream.indirect_vreg.gather [hbm4b:s1+s3], $0x80, v4, vm0, $0xb8;
	[tilespmem:$0x1A400] =	vst v63  }
0xac: {  	s14 =	simm.s32 $0x13C00  }
0xad: {  	[tilespmem:s14], [sflag:$0x3] =	stream.indirect_vreg.gather [hbm4b:s1+s3], $0x80, v3, vm0, $0xb8;
	[tilespmem:$0x1A400] =	vst v63  }
0xae: {  	v3 =	vld [tilespmem:$0xE0];
	_ =	sdelay $0x4  }
0xaf: {  	v58 =	vshll.u32 v3, $0x1  }
0xb0: {  	v3 =	vand.u32 $0x7, v3;
	v4 =	vand.u32 $0xFFFFFFF0, v58  }
0xb1: {  	v3 =	vor.u32 v3, v4  }
0xb2: {  	v4 =	vperm.xlane v3, v0;
	_ =	sdelay $0x1  }
0xb3: {  	v3 =	vperm.xlane v3, v2;
	v4 =	vadd.s32 v1, v4;
	_ =	sdelay $0x1  }
0xb4: {  	v3 =	vadd.s32 v1, v3;
	_ =	sdelay $0x1  }
0xb5: {  	s15 =	simm.s32 $0x14400  }
0xb6: {  	[tilespmem:s15], [sflag:$0x3] =	stream.indirect_vreg.gather [hbm4b:s1+s3], $0x80, v4, vm0, $0xb8;
	[tilespmem:$0x1A400] =	vst v63  }
0xb7: {  	s16 =	simm.s32 $0x14C00  }
0xb8: {  	[tilespmem:s16], [sflag:$0x3] =	stream.indirect_vreg.gather [hbm4b:s1+s3], $0x80, v3, vm0, $0xb8;
	[tilespmem:$0x1A400] =	vst v63  }
0xb9: {  	v3 =	vld [tilespmem:$0xF0];
	_ =	sdelay $0x4  }
0xba: {  	v59 =	vshll.u32 v3, $0x1  }
0xbb: {  	v3 =	vand.u32 $0x7, v3;
	v4 =	vand.u32 $0xFFFFFFF0, v59  }
0xbc: {  	v3 =	vor.u32 v3, v4  }
0xbd: {  	v4 =	vperm.xlane v3, v0;
	_ =	sdelay $0x1  }
0xbe: {  	v3 =	vperm.xlane v3, v2;
	v4 =	vadd.s32 v1, v4;
	_ =	sdelay $0x1  }
0xbf: {  	v3 =	vadd.s32 v1, v3;
	_ =	sdelay $0x2  }
0xc0: {  	[tilespmem:s13], [sflag:$0x4] =	stream.indirect_vreg.gather [hbm4b:s1+s3], $0x80, v4, vm0, $0xb8;
	[tilespmem:$0x1A400] =	vst v63  }
0xc1: {  	s17 =	simm.s32 $0x15C00  }
0xc2: {  	[tilespmem:s17], [sflag:$0x4] =	stream.indirect_vreg.gather [hbm4b:s1+s3], $0x80, v3, vm0, $0xb8;
	[tilespmem:$0x1A400] =	vst v63  }
0xc3: {  	v3 =	vld [tilespmem:$0x100];
	_ =	sdelay $0x4  }
0xc4: {  	v60 =	vshll.u32 v3, $0x1  }
0xc5: {  	v3 =	vand.u32 $0x7, v3;
	v4 =	vand.u32 $0xFFFFFFF0, v60  }
0xc6: {  	v3 =	vor.u32 v3, v4  }
0xc7: {  	v4 =	vperm.xlane v3, v0;
	_ =	sdelay $0x1  }
0xc8: {  	v3 =	vperm.xlane v3, v2;
	v4 =	vadd.s32 v1, v4;
	_ =	sdelay $0x1  }
0xc9: {  	v3 =	vadd.s32 v1, v3;
	_ =	sdelay $0x1  }
0xca: {  	s18 =	simm.s32 $0x16400  }
0xcb: {  	[tilespmem:s18], [sflag:$0x4] =	stream.indirect_vreg.gather [hbm4b:s1+s3], $0x80, v4, vm0, $0xb8;
	[tilespmem:$0x1A400] =	vst v63  }
0xcc: {  	s19 =	simm.s32 $0x16C00  }
0xcd: {  	[tilespmem:s19], [sflag:$0x4] =	stream.indirect_vreg.gather [hbm4b:s1+s3], $0x80, v3, vm0, $0xb8;
	[tilespmem:$0x1A400] =	vst v63  }
0xce: {  	v3 =	vld [tilespmem:$0x110];
	_ =	sdelay $0x4  }
0xcf: {  	v61 =	vshll.u32 v3, $0x1  }
0xd0: {  	v3 =	vand.u32 $0x7, v3;
	v4 =	vand.u32 $0xFFFFFFF0, v61  }
0xd1: {  	v3 =	vor.u32 v3, v4  }
0xd2: {  	v4 =	vperm.xlane v3, v0;
	_ =	sdelay $0x1  }
0xd3: {  	v3 =	vperm.xlane v3, v2;
	v4 =	vadd.s32 v1, v4;
	_ =	sdelay $0x1  }
0xd4: {  	v3 =	vadd.s32 v1, v3;
	_ =	sdelay $0x1  }
0xd5: {  	s20 =	simm.s32 $0x17400  }
0xd6: {  	[tilespmem:s20], [sflag:$0x4] =	stream.indirect_vreg.gather [hbm4b:s1+s3], $0x80, v4, vm0, $0xb8;
	[tilespmem:$0x1A400] =	vst v63  }
0xd7: {  	s21 =	simm.s32 $0x17C00  }
0xd8: {  	[tilespmem:s21], [sflag:$0x4] =	stream.indirect_vreg.gather [hbm4b:s1+s3], $0x80, v3, vm0, $0xb8;
	[tilespmem:$0x1A400] =	vst v63  }
0xd9: {  	v3 =	vld [tilespmem:$0x120];
	_ =	sdelay $0x4  }
0xda: {  	v62 =	vshll.u32 v3, $0x1  }
0xdb: {  	v3 =	vand.u32 $0x7, v3;
	v4 =	vand.u32 $0xFFFFFFF0, v62  }
0xdc: {  	v3 =	vor.u32 v3, v4  }
0xdd: {  	v4 =	vperm.xlane v3, v0;
	_ =	sdelay $0x1  }
0xde: {  	v3 =	vperm.xlane v3, v2;
	v4 =	vadd.s32 v1, v4;
	_ =	sdelay $0x1  }
0xdf: {  	v3 =	vadd.s32 v1, v3;
	_ =	sdelay $0x1  }
0xe0: {  	s22 =	simm.s32 $0x18400  }
0xe1: {  	[tilespmem:s22], [sflag:$0x4] =	stream.indirect_vreg.gather [hbm4b:s1+s3], $0x80, v4, vm0, $0xb8;
	[tilespmem:$0x1A400] =	vst v63  }
0xe2: {  	s23 =	simm.s32 $0x18C00  }
0xe3: {  	[tilespmem:s23], [sflag:$0x4] =	stream.indirect_vreg.gather [hbm4b:s1+s3], $0x80, v3, vm0, $0xb8;
	[tilespmem:$0x1A400] =	vst v63  }
0xe4: {  	v3 =	vld [tilespmem:$0x130];
	_ =	sdelay $0x4  }
0xe5: {  	v63 =	vshll.u32 v3, $0x1  }
0xe6: {  	v3 =	vand.u32 $0x7, v3;
	v4 =	vand.u32 $0xFFFFFFF0, v63  }
0xe7: {  	v3 =	vor.u32 v3, v4  }
0xe8: {  	v4 =	vperm.xlane v3, v0;
	_ =	sdelay $0x1  }
0xe9: {  	v3 =	vperm.xlane v3, v2;
	v4 =	vadd.s32 v1, v4  }
0xea: {  	s4 =	simm.s32 $0x270;
	s5 =	simm.s32 $0x0  }
0xeb: {  	s8 =	simm.s32 $0x7C00;
	s10 =	simm.s32 $0x8C00;
	s12 =	simm.s32 $0x19400;
	v3 =	vadd.s32 v1, v3  }
0xec: {  	s14 =	simm.s32 $0x9C00;
	s15 =	simm.s32 $0x19C00;
	s16 =	simm.s32 $0xAC00  }
0xed: {  	s17 =	simm.s32 $0xBC00;
	s18 =	simm.s32 $0xC400;
	s19 =	simm.s32 $0xCC00  }
0xee: {  	[tilespmem:s12], [sflag:$0x4] =	stream.indirect_vreg.gather [hbm4b:s1+s3], $0x80, v4, vm0, $0xb8;
	[tilespmem:$0x1A400] =	vst v63  }
0xef: {  	s20 =	simm.s32 $0xD400;
	s22 =	simm.s32 $0xDC00;
	s23 =	simm.s32 $0xE400  }
0xf0: {  	[tilespmem:s15], [sflag:$0x4] =	stream.indirect_vreg.gather [hbm4b:s1+s3], $0x80, v3, vm0, $0xb8;
	[tilespmem:$0x1A400] =	vst v63  }
.LBB2_2:
0xf1: {  	_ =	swait.ge [sflag:s24], $0x5000  }
0xf2: {  	s6 =	rddreg [dreg:$0x4];
	[sflag:s24] =	ssyncset.done $0x0  }
0xf3: {  	s2 =	simm.s32 $0x6400;
	[sflag:s24] =	ssyncadd.s32 $0xFFFFB000;
	s6 =	sadd.s32 s5, s6  }
0xf4: {  	[hbm4b:s6+s3] =	stream.linear.scatter [tilespmem:s2], [sflag:$0x5], $0x5000, $0x38;
	[tilespmem:$0x1A400] =	vst v63  }
0xf5: {  	_ =	swait.ge [sflag:s25], $0x5000  }
0xf6: {  	[sflag:s25] =	ssyncset.done $0x0  }
0xf7: {  	s9 =	simm.s32 $0xB400;
	s7 =	sadd.s32 $0xA00, s6;
	[sflag:s25] =	ssyncadd.s32 $0xFFFFB000  }
0xf8: {  	[hbm4b:s7+s3] =	stream.linear.scatter [tilespmem:s9], [sflag:$0x6], $0x5000, $0x38;
	[tilespmem:$0x1A400] =	vst v63  }
0xf9: {  	_ =	swait.ge [sflag:s26], $0x5000  }
0xfa: {  	[sflag:s26] =	ssyncset.done $0x0  }
0xfb: {  	s11 =	simm.s32 $0x10400;
	s21 =	sadd.s32 $0x1400, s6;
	[sflag:s26] =	ssyncadd.s32 $0xFFFFB000  }
0xfc: {  	[hbm4b:s21+s3] =	stream.linear.scatter [tilespmem:s11], [sflag:$0x7], $0x5000, $0x38;
	[tilespmem:$0x1A400] =	vst v63  }
0xfd: {  	_ =	swait.ge [sflag:s28], $0x5000  }
0xfe: {  	[sflag:s28] =	ssyncset.done $0x0  }
0xff: {  	s6 =	sadd.s32 $0x1E00, s6;
	[sflag:s28] =	ssyncadd.s32 $0xFFFFB000  }
0x100: {  	[hbm4b:s6+s3] =	stream.linear.scatter [tilespmem:s13], [sflag:$0x8], $0x5000, $0x38;
	[tilespmem:$0x1A400] =	vst v63  }
0x101: {  	_ =	swait.ge [sflag:s29], $0x5000  }
0x102: {  	[sflag:s29] =	ssyncset.done $0x0  }
0x103: {  	[sflag:s29] =	ssyncadd.s32 $0xFFFFB000  }
0x104: {  	v3 =	vld [tilespmem:s4+$0xFFFFFED0];
	_ =	sdelay $0x4  }
0x105: {  	v4 =	vshll.u32 v3, $0x1  }
0x106: {  	v3 =	vand.u32 $0x7, v3;
	v4 =	vand.u32 $0xFFFFFFF0, v4  }
0x107: {  	v3 =	vor.u32 v3, v4  }
0x108: {  	v4 =	vperm.xlane v3, v0;
	_ =	sdelay $0x1  }
0x109: {  	v3 =	vperm.xlane v3, v2;
	v4 =	vadd.s32 v1, v4;
	_ =	sdelay $0x1  }
0x10a: {  	v3 =	vadd.s32 v1, v3;
	_ =	sdelay $0x2  }
0x10b: {  	[tilespmem:s2], [sflag:$0x1] =	stream.indirect_vreg.gather [hbm4b:s1+s3], $0x80, v4, vm0, $0xb8;
	[tilespmem:$0x1A400] =	vst v63  }
0x10c: {  	s6 =	simm.s32 $0x6C00  }
0x10d: {  	[tilespmem:s6], [sflag:$0x1] =	stream.indirect_vreg.gather [hbm4b:s1+s3], $0x80, v3, vm0, $0xb8;
	[tilespmem:$0x1A400] =	vst v63  }
0x10e: {  	v3 =	vld [tilespmem:s4+$0xFFFFFEE0];
	_ =	sdelay $0x4  }
0x10f: {  	v45 =	vshll.u32 v3, $0x1  }
0x110: {  	v3 =	vand.u32 $0x7, v3;
	v4 =	vand.u32 $0xFFFFFFF0, v45  }
0x111: {  	v3 =	vor.u32 v3, v4  }
0x112: {  	v4 =	vperm.xlane v3, v0;
	_ =	sdelay $0x1  }
0x113: {  	v3 =	vperm.xlane v3, v2;
	v4 =	vadd.s32 v1, v4;
	_ =	sdelay $0x1  }
0x114: {  	v3 =	vadd.s32 v1, v3;
	_ =	sdelay $0x1  }
0x115: {  	s7 =	simm.s32 $0x7400  }
0x116: {  	[tilespmem:s7], [sflag:$0x1] =	stream.indirect_vreg.gather [hbm4b:s1+s3], $0x80, v4, vm0, $0xb8;
	[tilespmem:$0x1A400] =	vst v63  }
0x117: {  	_ = 	snop  }
0x118: {  	[tilespmem:s8], [sflag:$0x1] =	stream.indirect_vreg.gather [hbm4b:s1+s3], $0x80, v3, vm0, $0xb8;
	[tilespmem:$0x1A400] =	vst v63  }
0x119: {  	v3 =	vld [tilespmem:s4+$0xFFFFFEF0];
	_ =	sdelay $0x4  }
0x11a: {  	v46 =	vshll.u32 v3, $0x1  }
0x11b: {  	v3 =	vand.u32 $0x7, v3;
	v4 =	vand.u32 $0xFFFFFFF0, v46  }
0x11c: {  	v3 =	vor.u32 v3, v4  }
0x11d: {  	v4 =	vperm.xlane v3, v0;
	_ =	sdelay $0x1  }
0x11e: {  	v3 =	vperm.xlane v3, v2;
	v4 =	vadd.s32 v1, v4;
	_ =	sdelay $0x1  }
0x11f: {  	v3 =	vadd.s32 v1, v3;
	_ =	sdelay $0x1  }
0x120: {  	s2 =	simm.s32 $0x8400  }
0x121: {  	[tilespmem:s2], [sflag:$0x1] =	stream.indirect_vreg.gather [hbm4b:s1+s3], $0x80, v4, vm0, $0xb8;
	[tilespmem:$0x1A400] =	vst v63  }
0x122: {  	_ = 	snop  }
0x123: {  	[tilespmem:s10], [sflag:$0x1] =	stream.indirect_vreg.gather [hbm4b:s1+s3], $0x80, v3, vm0, $0xb8;
	[tilespmem:$0x1A400] =	vst v63  }
0x124: {  	v3 =	vld [tilespmem:s4+$0xFFFFFF00];
	_ =	sdelay $0x4  }
0x125: {  	v47 =	vshll.u32 v3, $0x1  }
0x126: {  	v3 =	vand.u32 $0x7, v3;
	v4 =	vand.u32 $0xFFFFFFF0, v47  }
0x127: {  	v3 =	vor.u32 v3, v4  }
0x128: {  	v4 =	vperm.xlane v3, v0;
	_ =	sdelay $0x1  }
0x129: {  	v3 =	vperm.xlane v3, v2;
	v4 =	vadd.s32 v1, v4;
	_ =	sdelay $0x1  }
0x12a: {  	v3 =	vadd.s32 v1, v3;
	_ =	sdelay $0x1  }
0x12b: {  	s2 =	simm.s32 $0x9400  }
0x12c: {  	[tilespmem:s2], [sflag:$0x1] =	stream.indirect_vreg.gather [hbm4b:s1+s3], $0x80, v4, vm0, $0xb8;
	[tilespmem:$0x1A400] =	vst v63  }
0x12d: {  	_ = 	snop  }
0x12e: {  	[tilespmem:s14], [sflag:$0x1] =	stream.indirect_vreg.gather [hbm4b:s1+s3], $0x80, v3, vm0, $0xb8;
	[tilespmem:$0x1A400] =	vst v63  }
0x12f: {  	v3 =	vld [tilespmem:s4+$0xFFFFFF10];
	_ =	sdelay $0x4  }
0x130: {  	v48 =	vshll.u32 v3, $0x1  }
0x131: {  	v3 =	vand.u32 $0x7, v3;
	v4 =	vand.u32 $0xFFFFFFF0, v48  }
0x132: {  	v3 =	vor.u32 v3, v4  }
0x133: {  	v4 =	vperm.xlane v3, v0;
	_ =	sdelay $0x1  }
0x134: {  	v3 =	vperm.xlane v3, v2;
	v4 =	vadd.s32 v1, v4;
	_ =	sdelay $0x1  }
0x135: {  	v3 =	vadd.s32 v1, v3;
	_ =	sdelay $0x1  }
0x136: {  	s2 =	simm.s32 $0xA400  }
0x137: {  	[tilespmem:s2], [sflag:$0x1] =	stream.indirect_vreg.gather [hbm4b:s1+s3], $0x80, v4, vm0, $0xb8;
	[tilespmem:$0x1A400] =	vst v63  }
0x138: {  	_ = 	snop  }
0x139: {  	[tilespmem:s16], [sflag:$0x1] =	stream.indirect_vreg.gather [hbm4b:s1+s3], $0x80, v3, vm0, $0xb8;
	[tilespmem:$0x1A400] =	vst v63  }
0x13a: {  	_ =	swait.ge [sflag:s30], $0x5000  }
0x13b: {  	[sflag:s30] =	ssyncset.done $0x0  }
0x13c: {  	[sflag:s30] =	ssyncadd.s32 $0xFFFFB000  }
0x13d: {  	v3 =	vld [tilespmem:s4+$0xFFFFFF20];
	_ =	sdelay $0x4  }
0x13e: {  	v49 =	vshll.u32 v3, $0x1  }
0x13f: {  	v3 =	vand.u32 $0x7, v3;
	v4 =	vand.u32 $0xFFFFFFF0, v49  }
0x140: {  	v3 =	vor.u32 v3, v4  }
0x141: {  	v4 =	vperm.xlane v3, v0;
	_ =	sdelay $0x1  }
0x142: {  	v3 =	vperm.xlane v3, v2;
	v4 =	vadd.s32 v1, v4;
	_ =	sdelay $0x1  }
0x143: {  	v3 =	vadd.s32 v1, v3;
	_ =	sdelay $0x2  }
0x144: {  	[tilespmem:s9], [sflag:$0x2] =	stream.indirect_vreg.gather [hbm4b:s1+s3], $0x80, v4, vm0, $0xb8;
	[tilespmem:$0x1A400] =	vst v63  }
0x145: {  	_ = 	snop  }
0x146: {  	[tilespmem:s17], [sflag:$0x2] =	stream.indirect_vreg.gather [hbm4b:s1+s3], $0x80, v3, vm0, $0xb8;
	[tilespmem:$0x1A400] =	vst v63  }
0x147: {  	v3 =	vld [tilespmem:s4+$0xFFFFFF30];
	_ =	sdelay $0x4  }
0x148: {  	v50 =	vshll.u32 v3, $0x1  }
0x149: {  	v3 =	vand.u32 $0x7, v3;
	v4 =	vand.u32 $0xFFFFFFF0, v50  }
0x14a: {  	v3 =	vor.u32 v3, v4  }
0x14b: {  	v4 =	vperm.xlane v3, v0;
	_ =	sdelay $0x1  }
0x14c: {  	v3 =	vperm.xlane v3, v2;
	v4 =	vadd.s32 v1, v4;
	_ =	sdelay $0x1  }
0x14d: {  	v3 =	vadd.s32 v1, v3;
	_ =	sdelay $0x2  }
0x14e: {  	[tilespmem:s18], [sflag:$0x2] =	stream.indirect_vreg.gather [hbm4b:s1+s3], $0x80, v4, vm0, $0xb8;
	[tilespmem:$0x1A400] =	vst v63  }
0x14f: {  	_ = 	snop  }
0x150: {  	[tilespmem:s19], [sflag:$0x2] =	stream.indirect_vreg.gather [hbm4b:s1+s3], $0x80, v3, vm0, $0xb8;
	[tilespmem:$0x1A400] =	vst v63  }
0x151: {  	v3 =	vld [tilespmem:s4+$0xFFFFFF40];
	_ =	sdelay $0x4  }
0x152: {  	v51 =	vshll.u32 v3, $0x1  }
0x153: {  	v3 =	vand.u32 $0x7, v3;
	v4 =	vand.u32 $0xFFFFFFF0, v51  }
0x154: {  	v3 =	vor.u32 v3, v4  }
0x155: {  	v4 =	vperm.xlane v3, v0;
	_ =	sdelay $0x1  }
0x156: {  	v3 =	vperm.xlane v3, v2;
	v4 =	vadd.s32 v1, v4;
	_ =	sdelay $0x1  }
0x157: {  	v3 =	vadd.s32 v1, v3;
	_ =	sdelay $0x2  }
0x158: {  	[tilespmem:s20], [sflag:$0x2] =	stream.indirect_vreg.gather [hbm4b:s1+s3], $0x80, v4, vm0, $0xb8;
	[tilespmem:$0x1A400] =	vst v63  }
0x159: {  	_ = 	snop  }
0x15a: {  	[tilespmem:s22], [sflag:$0x2] =	stream.indirect_vreg.gather [hbm4b:s1+s3], $0x80, v3, vm0, $0xb8;
	[tilespmem:$0x1A400] =	vst v63  }
0x15b: {  	v3 =	vld [tilespmem:s4+$0xFFFFFF50];
	_ =	sdelay $0x4  }
0x15c: {  	v52 =	vshll.u32 v3, $0x1  }
0x15d: {  	v3 =	vand.u32 $0x7, v3;
	v4 =	vand.u32 $0xFFFFFFF0, v52  }
0x15e: {  	v3 =	vor.u32 v3, v4  }
0x15f: {  	v4 =	vperm.xlane v3, v0;
	_ =	sdelay $0x1  }
0x160: {  	v3 =	vperm.xlane v3, v2;
	v4 =	vadd.s32 v1, v4;
	_ =	sdelay $0x1  }
0x161: {  	v3 =	vadd.s32 v1, v3;
	_ =	sdelay $0x2  }
0x162: {  	[tilespmem:s23], [sflag:$0x2] =	stream.indirect_vreg.gather [hbm4b:s1+s3], $0x80, v4, vm0, $0xb8;
	[tilespmem:$0x1A400] =	vst v63  }
0x163: {  	s9 =	simm.s32 $0xEC00  }
0x164: {  	[tilespmem:s9], [sflag:$0x2] =	stream.indirect_vreg.gather [hbm4b:s1+s3], $0x80, v3, vm0, $0xb8;
	[tilespmem:$0x1A400] =	vst v63  }
0x165: {  	v3 =	vld [tilespmem:s4+$0xFFFFFF60];
	_ =	sdelay $0x4  }
0x166: {  	v53 =	vshll.u32 v3, $0x1  }
0x167: {  	v3 =	vand.u32 $0x7, v3;
	v4 =	vand.u32 $0xFFFFFFF0, v53  }
0x168: {  	v3 =	vor.u32 v3, v4  }
0x169: {  	v4 =	vperm.xlane v3, v0;
	_ =	sdelay $0x1  }
0x16a: {  	v3 =	vperm.xlane v3, v2;
	v4 =	vadd.s32 v1, v4;
	_ =	sdelay $0x1  }
0x16b: {  	v3 =	vadd.s32 v1, v3;
	_ =	sdelay $0x1  }
0x16c: {  	s9 =	simm.s32 $0xF400  }
0x16d: {  	[tilespmem:s9], [sflag:$0x2] =	stream.indirect_vreg.gather [hbm4b:s1+s3], $0x80, v4, vm0, $0xb8;
	[tilespmem:$0x1A400] =	vst v63  }
0x16e: {  	s9 =	simm.s32 $0xFC00  }
0x16f: {  	[tilespmem:s9], [sflag:$0x2] =	stream.indirect_vreg.gather [hbm4b:s1+s3], $0x80, v3, vm0, $0xb8;
	[tilespmem:$0x1A400] =	vst v63  }
0x170: {  	_ =	swait.ge [sflag:s31], $0x5000  }
0x171: {  	[sflag:s31] =	ssyncset.done $0x0  }
0x172: {  	[sflag:s31] =	ssyncadd.s32 $0xFFFFB000  }
0x173: {  	v3 =	vld [tilespmem:s4+$0xFFFFFF70];
	_ =	sdelay $0x4  }
0x174: {  	v54 =	vshll.u32 v3, $0x1  }
0x175: {  	v3 =	vand.u32 $0x7, v3;
	v4 =	vand.u32 $0xFFFFFFF0, v54  }
0x176: {  	v3 =	vor.u32 v3, v4  }
0x177: {  	v4 =	vperm.xlane v3, v0;
	_ =	sdelay $0x1  }
0x178: {  	v3 =	vperm.xlane v3, v2;
	v4 =	vadd.s32 v1, v4;
	_ =	sdelay $0x1  }
0x179: {  	v3 =	vadd.s32 v1, v3;
	_ =	sdelay $0x2  }
0x17a: {  	[tilespmem:s11], [sflag:$0x3] =	stream.indirect_vreg.gather [hbm4b:s1+s3], $0x80, v4, vm0, $0xb8;
	[tilespmem:$0x1A400] =	vst v63  }
0x17b: {  	s11 =	simm.s32 $0x10C00  }
0x17c: {  	[tilespmem:s11], [sflag:$0x3] =	stream.indirect_vreg.gather [hbm4b:s1+s3], $0x80, v3, vm0, $0xb8;
	[tilespmem:$0x1A400] =	vst v63  }
0x17d: {  	v3 =	vld [tilespmem:s4+$0xFFFFFF80];
	_ =	sdelay $0x4  }
0x17e: {  	v55 =	vshll.u32 v3, $0x1  }
0x17f: {  	v3 =	vand.u32 $0x7, v3;
	v4 =	vand.u32 $0xFFFFFFF0, v55  }
0x180: {  	v3 =	vor.u32 v3, v4  }
0x181: {  	v4 =	vperm.xlane v3, v0;
	_ =	sdelay $0x1  }
0x182: {  	v3 =	vperm.xlane v3, v2;
	v4 =	vadd.s32 v1, v4;
	_ =	sdelay $0x1  }
0x183: {  	v3 =	vadd.s32 v1, v3;
	_ =	sdelay $0x1  }
0x184: {  	s11 =	simm.s32 $0x11400  }
0x185: {  	[tilespmem:s11], [sflag:$0x3] =	stream.indirect_vreg.gather [hbm4b:s1+s3], $0x80, v4, vm0, $0xb8;
	[tilespmem:$0x1A400] =	vst v63  }
0x186: {  	s11 =	simm.s32 $0x11C00  }
0x187: {  	[tilespmem:s11], [sflag:$0x3] =	stream.indirect_vreg.gather [hbm4b:s1+s3], $0x80, v3, vm0, $0xb8;
	[tilespmem:$0x1A400] =	vst v63  }
0x188: {  	v3 =	vld [tilespmem:s4+$0xFFFFFF90];
	_ =	sdelay $0x4  }
0x189: {  	v56 =	vshll.u32 v3, $0x1  }
0x18a: {  	v3 =	vand.u32 $0x7, v3;
	v4 =	vand.u32 $0xFFFFFFF0, v56  }
0x18b: {  	v3 =	vor.u32 v3, v4  }
0x18c: {  	v4 =	vperm.xlane v3, v0;
	_ =	sdelay $0x1  }
0x18d: {  	v3 =	vperm.xlane v3, v2;
	v4 =	vadd.s32 v1, v4;
	_ =	sdelay $0x1  }
0x18e: {  	v3 =	vadd.s32 v1, v3;
	_ =	sdelay $0x1  }
0x18f: {  	s11 =	simm.s32 $0x12400  }
0x190: {  	[tilespmem:s11], [sflag:$0x3] =	stream.indirect_vreg.gather [hbm4b:s1+s3], $0x80, v4, vm0, $0xb8;
	[tilespmem:$0x1A400] =	vst v63  }
0x191: {  	s11 =	simm.s32 $0x12C00  }
0x192: {  	[tilespmem:s11], [sflag:$0x3] =	stream.indirect_vreg.gather [hbm4b:s1+s3], $0x80, v3, vm0, $0xb8;
	[tilespmem:$0x1A400] =	vst v63  }
0x193: {  	v3 =	vld [tilespmem:s4+$0xFFFFFFA0];
	_ =	sdelay $0x4  }
0x194: {  	v57 =	vshll.u32 v3, $0x1  }
0x195: {  	v3 =	vand.u32 $0x7, v3;
	v4 =	vand.u32 $0xFFFFFFF0, v57  }
0x196: {  	v3 =	vor.u32 v3, v4  }
0x197: {  	v4 =	vperm.xlane v3, v0;
	_ =	sdelay $0x1  }
0x198: {  	v3 =	vperm.xlane v3, v2;
	v4 =	vadd.s32 v1, v4;
	_ =	sdelay $0x1  }
0x199: {  	v3 =	vadd.s32 v1, v3;
	_ =	sdelay $0x1  }
0x19a: {  	s11 =	simm.s32 $0x13400  }
0x19b: {  	[tilespmem:s11], [sflag:$0x3] =	stream.indirect_vreg.gather [hbm4b:s1+s3], $0x80, v4, vm0, $0xb8;
	[tilespmem:$0x1A400] =	vst v63  }
0x19c: {  	s11 =	simm.s32 $0x13C00  }
0x19d: {  	[tilespmem:s11], [sflag:$0x3] =	stream.indirect_vreg.gather [hbm4b:s1+s3], $0x80, v3, vm0, $0xb8;
	[tilespmem:$0x1A400] =	vst v63  }
0x19e: {  	v3 =	vld [tilespmem:s4+$0xFFFFFFB0];
	_ =	sdelay $0x4  }
0x19f: {  	v58 =	vshll.u32 v3, $0x1  }
0x1a0: {  	v3 =	vand.u32 $0x7, v3;
	v4 =	vand.u32 $0xFFFFFFF0, v58  }
0x1a1: {  	v3 =	vor.u32 v3, v4  }
0x1a2: {  	v4 =	vperm.xlane v3, v0;
	_ =	sdelay $0x1  }
0x1a3: {  	v3 =	vperm.xlane v3, v2;
	v4 =	vadd.s32 v1, v4;
	_ =	sdelay $0x1  }
0x1a4: {  	v3 =	vadd.s32 v1, v3;
	_ =	sdelay $0x1  }
0x1a5: {  	s11 =	simm.s32 $0x14400  }
0x1a6: {  	[tilespmem:s11], [sflag:$0x3] =	stream.indirect_vreg.gather [hbm4b:s1+s3], $0x80, v4, vm0, $0xb8;
	[tilespmem:$0x1A400] =	vst v63  }
0x1a7: {  	s11 =	simm.s32 $0x14C00  }
0x1a8: {  	[tilespmem:s11], [sflag:$0x3] =	stream.indirect_vreg.gather [hbm4b:s1+s3], $0x80, v3, vm0, $0xb8;
	[tilespmem:$0x1A400] =	vst v63  }
0x1a9: {  	_ =	swait.ge [sflag:s0], $0x5000  }
0x1aa: {  	[sflag:s0] =	ssyncset.done $0x0  }
0x1ab: {  	[sflag:s0] =	ssyncadd.s32 $0xFFFFB000  }
0x1ac: {  	v3 =	vld [tilespmem:s4+$0xFFFFFFC0];
	_ =	sdelay $0x4  }
0x1ad: {  	v59 =	vshll.u32 v3, $0x1  }
0x1ae: {  	v3 =	vand.u32 $0x7, v3;
	v4 =	vand.u32 $0xFFFFFFF0, v59  }
0x1af: {  	v3 =	vor.u32 v3, v4  }
0x1b0: {  	v4 =	vperm.xlane v3, v0;
	_ =	sdelay $0x1  }
0x1b1: {  	v3 =	vperm.xlane v3, v2;
	v4 =	vadd.s32 v1, v4;
	_ =	sdelay $0x1  }
0x1b2: {  	v3 =	vadd.s32 v1, v3;
	_ =	sdelay $0x2  }
0x1b3: {  	[tilespmem:s13], [sflag:$0x4] =	stream.indirect_vreg.gather [hbm4b:s1+s3], $0x80, v4, vm0, $0xb8;
	[tilespmem:$0x1A400] =	vst v63  }
0x1b4: {  	s11 =	simm.s32 $0x15C00  }
0x1b5: {  	[tilespmem:s11], [sflag:$0x4] =	stream.indirect_vreg.gather [hbm4b:s1+s3], $0x80, v3, vm0, $0xb8;
	[tilespmem:$0x1A400] =	vst v63  }
0x1b6: {  	v3 =	vld [tilespmem:s4+$0xFFFFFFD0];
	_ =	sdelay $0x4  }
0x1b7: {  	v60 =	vshll.u32 v3, $0x1  }
0x1b8: {  	v3 =	vand.u32 $0x7, v3;
	v4 =	vand.u32 $0xFFFFFFF0, v60  }
0x1b9: {  	v3 =	vor.u32 v3, v4  }
0x1ba: {  	v4 =	vperm.xlane v3, v0;
	_ =	sdelay $0x1  }
0x1bb: {  	v3 =	vperm.xlane v3, v2;
	v4 =	vadd.s32 v1, v4;
	_ =	sdelay $0x1  }
0x1bc: {  	v3 =	vadd.s32 v1, v3;
	_ =	sdelay $0x1  }
0x1bd: {  	s11 =	simm.s32 $0x16400  }
0x1be: {  	[tilespmem:s11], [sflag:$0x4] =	stream.indirect_vreg.gather [hbm4b:s1+s3], $0x80, v4, vm0, $0xb8;
	[tilespmem:$0x1A400] =	vst v63  }
0x1bf: {  	s11 =	simm.s32 $0x16C00  }
0x1c0: {  	[tilespmem:s11], [sflag:$0x4] =	stream.indirect_vreg.gather [hbm4b:s1+s3], $0x80, v3, vm0, $0xb8;
	[tilespmem:$0x1A400] =	vst v63  }
0x1c1: {  	v3 =	vld [tilespmem:s4+$0xFFFFFFE0];
	_ =	sdelay $0x4  }
0x1c2: {  	v61 =	vshll.u32 v3, $0x1  }
0x1c3: {  	v3 =	vand.u32 $0x7, v3;
	v4 =	vand.u32 $0xFFFFFFF0, v61  }
0x1c4: {  	v3 =	vor.u32 v3, v4  }
0x1c5: {  	v4 =	vperm.xlane v3, v0;
	_ =	sdelay $0x1  }
0x1c6: {  	v3 =	vperm.xlane v3, v2;
	v4 =	vadd.s32 v1, v4;
	_ =	sdelay $0x1  }
0x1c7: {  	v3 =	vadd.s32 v1, v3;
	_ =	sdelay $0x1  }
0x1c8: {  	s11 =	simm.s32 $0x17400  }
0x1c9: {  	[tilespmem:s11], [sflag:$0x4] =	stream.indirect_vreg.gather [hbm4b:s1+s3], $0x80, v4, vm0, $0xb8;
	[tilespmem:$0x1A400] =	vst v63  }
0x1ca: {  	s11 =	simm.s32 $0x17C00  }
0x1cb: {  	[tilespmem:s11], [sflag:$0x4] =	stream.indirect_vreg.gather [hbm4b:s1+s3], $0x80, v3, vm0, $0xb8;
	[tilespmem:$0x1A400] =	vst v63  }
0x1cc: {  	v3 =	vld [tilespmem:s4+$0xFFFFFFF0];
	_ =	sdelay $0x4  }
0x1cd: {  	v62 =	vshll.u32 v3, $0x1  }
0x1ce: {  	v3 =	vand.u32 $0x7, v3;
	v4 =	vand.u32 $0xFFFFFFF0, v62  }
0x1cf: {  	v3 =	vor.u32 v3, v4  }
0x1d0: {  	v4 =	vperm.xlane v3, v0;
	_ =	sdelay $0x1  }
0x1d1: {  	v3 =	vperm.xlane v3, v2;
	v4 =	vadd.s32 v1, v4;
	_ =	sdelay $0x1  }
0x1d2: {  	v3 =	vadd.s32 v1, v3;
	_ =	sdelay $0x1  }
0x1d3: {  	s11 =	simm.s32 $0x18400  }
0x1d4: {  	[tilespmem:s11], [sflag:$0x4] =	stream.indirect_vreg.gather [hbm4b:s1+s3], $0x80, v4, vm0, $0xb8;
	[tilespmem:$0x1A400] =	vst v63  }
0x1d5: {  	s11 =	simm.s32 $0x18C00  }
0x1d6: {  	[tilespmem:s11], [sflag:$0x4] =	stream.indirect_vreg.gather [hbm4b:s1+s3], $0x80, v3, vm0, $0xb8;
	[tilespmem:$0x1A400] =	vst v63  }
0x1d7: {  	v3 =	vld [tilespmem:s4+$0x0];
	_ =	sdelay $0x4  }
0x1d8: {  	v63 =	vshll.u32 v3, $0x1  }
0x1d9: {  	v3 =	vand.u32 $0x7, v3;
	v4 =	vand.u32 $0xFFFFFFF0, v63  }
0x1da: {  	v3 =	vor.u32 v3, v4  }
0x1db: {  	v4 =	vperm.xlane v3, v0;
	_ =	sdelay $0x1  }
0x1dc: {  	v3 =	vperm.xlane v3, v2;
	v4 =	vadd.s32 v1, v4;
	_ =	sdelay $0x1  }
0x1dd: {  	p0 =	sne.s32 s5, $0xC3000;
	v3 =	vadd.s32 v1, v3  }
.Ltmp0:
0x1de: {  	_ = 	snop;
	(pc) =	sbr.rel @p0 .LBB2_2-.Ltmp0, $4  }
0x1df: {  	s5 =	sadd.s32 $0x2800, s5;
	s21 =	simm.s32 $0x6400  }
0x1e0: {  	[tilespmem:s12], [sflag:$0x4] =	stream.indirect_vreg.gather [hbm4b:s1+s3], $0x80, v4, vm0, $0xb8;
	[tilespmem:$0x1A400] =	vst v63  }
0x1e1: {  	s2 =	simm.s32 $0xB400;
	s9 =	simm.s32 $0x10400;
	s4 =	sadd.s32 $0x140, s4  }
0x1e2: {  	[tilespmem:s15], [sflag:$0x4] =	stream.indirect_vreg.gather [hbm4b:s1+s3], $0x80, v3, vm0, $0xb8;
	[tilespmem:$0x1A400] =	vst v63  }
0x1e3: {  	_ =	swait.ge [sflag:s24], $0x5000  }
0x1e4: {  	[sflag:s24] =	ssyncset.done $0x0  }
0x1e5: {  	s4 =	rddreg [dreg:$0x6];
	[sflag:s24] =	ssyncadd.s32 $0xFFFFB000  }
0x1e6: {  	[hbm4b:s4+s3] =	stream.linear.scatter [tilespmem:s21], [sflag:$0x5], $0x5000, $0x38;
	[tilespmem:$0x1A400] =	vst v63  }
0x1e7: {  	_ =	swait.ge [sflag:s25], $0x5000  }
0x1e8: {  	[sflag:s25] =	ssyncset.done $0x0  }
0x1e9: {  	s19 =	rddreg [dreg:$0x7];
	[sflag:s25] =	ssyncadd.s32 $0xFFFFB000  }
0x1ea: {  	[hbm4b:s19+s3] =	stream.linear.scatter [tilespmem:s2], [sflag:$0x6], $0x5000, $0x38;
	[tilespmem:$0x1A400] =	vst v63  }
0x1eb: {  	_ =	swait.ge [sflag:s26], $0x5000  }
0x1ec: {  	[sflag:s26] =	ssyncset.done $0x0  }
0x1ed: {  	s20 =	rddreg [dreg:$0x8];
	[sflag:s26] =	ssyncadd.s32 $0xFFFFB000  }
0x1ee: {  	[hbm4b:s20+s3] =	stream.linear.scatter [tilespmem:s9], [sflag:$0x7], $0x5000, $0x38;
	[tilespmem:$0x1A400] =	vst v63  }
0x1ef: {  	_ =	swait.ge [sflag:s28], $0x5000  }
0x1f0: {  	[sflag:s28] =	ssyncset.done $0x0  }
0x1f1: {  	s22 =	rddreg [dreg:$0x9];
	[sflag:s28] =	ssyncadd.s32 $0xFFFFB000  }
0x1f2: {  	[hbm4b:s22+s3] =	stream.linear.scatter [tilespmem:s13], [sflag:$0x8], $0x5000, $0x38;
	[tilespmem:$0x1A400] =	vst v63  }
0x1f3: {  	_ =	swait.ge [sflag:s29], $0x5000  }
0x1f4: {  	[sflag:s29] =	ssyncset.done $0x0  }
0x1f5: {  	[sflag:s29] =	ssyncadd.s32 $0xFFFFB000  }
0x1f6: {  	_ =	swait.ge [sflag:s30], $0x5000  }
0x1f7: {  	[sflag:s30] =	ssyncset.done $0x0  }
0x1f8: {  	[sflag:s30] =	ssyncadd.s32 $0xFFFFB000  }
0x1f9: {  	_ =	swait.ge [sflag:s31], $0x5000  }
0x1fa: {  	[sflag:s31] =	ssyncset.done $0x0  }
0x1fb: {  	[sflag:s31] =	ssyncadd.s32 $0xFFFFB000  }
0x1fc: {  	_ =	swait.ge [sflag:s0], $0x5000  }
0x1fd: {  	s5 =	rddreg [dreg:$0xb]  }
0x1fe: {  	s8 =	simm.s32 $0x8400;
	s23 =	rddreg [dreg:$0xa];
	s5 =	sadd.s32 $0x1, s5  }
0x1ff: {  	s10 =	simm.s32 $0x9400;
	s12 =	simm.s32 $0x9C00;
	p0 =	sne.s32 s5, s23  }
.Ltmp1:
0x200: {  	s14 =	simm.s32 $0xA400;
	s15 =	simm.s32 $0xAC00;
	(pc) =	sbr.rel @p0 .LBB2_1-.Ltmp1, $4  }
0x201: {  	s16 =	simm.s32 $0xBC00;
	s17 =	simm.s32 $0xC400;
	s18 =	simm.s32 $0xCC00  }
0x202: {  	s11 =	simm.s32 $0xEC00;
	s19 =	simm.s32 $0xD400;
	[sflag:s0] =	ssyncset.done $0x0  }
0x203: {  	s20 =	simm.s32 $0xDC00;
	s22 =	simm.s32 $0xE400;
	[sflag:s0] =	ssyncadd.s32 $0xFFFFB000  }
0x204: {  	[dreg:$0xb] =	wrdreg s5;
	s5 =	simm.s32 $0x7C00;
	s23 =	simm.s32 $0x8C00  }
0x205: {  	_ =	sfence.sel $0x180000  }
0x206: {  	[bflag:$0x0] =	sbarrier.arrive $0xFFFF  }
0x207: {  	_ =	strace $0x90000047  }
0x208: {  	s0 =	stileid.u32;
	[bflag:$0x2] =	sbarrier.arrive $0xFFFF  }
0x209: {  	p0 =	sne.s32 s0, $0x0;
	s0 =	rddreg [dreg:$0x3]  }
0x20a: {  	s0 =	sadd.s32 @!p0 $0x100000, s0  }
0x20b: {  	[sflag:s0] =	ssyncadd.tile.s32 @!p0 $0x1;
	_ =	shalt  }
.Lfunc_end2:
_tile_overlayer_lowered:
.L_overlay_start_2:
0x20c: {  	(tag) =	ssettag $0x2  }
0x20d: {  	s0 =	rddreg [dreg:$0x0];
	s2 =	stileid.u32  }
0x20e: {  	s1 =	rddreg [dreg:$0x1];
	p0 =	sne.s32 s2, $0x0  }
0x20f: {  	s3 =	rddreg [dreg:$0x2];
	[bflag:$0x3] =	sbarrier.arrive $0xFFFF;
	s2 =	simm.s32 @!p0 $0x1C09  }
0x210: {  	[timem:s3], [sflag:s2] =	dma.local @!p0 [hbm:s0], s1  }
0x211: {  	s0 =	simm.s32 @!p0 $0x9  }
0x212: {  	_ =	swait.ge @!p0 [sflag:s0], s1  }
0x213: {  	s1 =	ssub.s32 @!p0 $0x0, s1;
	[sflag:s0] =	ssyncset.done @!p0 $0x0  }
0x214: {  	[sflag:s0] =	ssyncadd.s32 @!p0 s1  }
0x215: {  	[bflag:$0x3] =	sbarrier.arrive $0xFFFF  }
0x216: {  	_ =	shalt  }

</sc_bundles>
